<compile_context>
chip_gen: v7x
topology: tpu7x:2x2x1
jax: 0.10.2.dev20260603
libtpu: 0.0.44.dev20260713+nightly
codegen_flags: <defaults>
</compile_context>

<pallas_src>
import functools

import jax
import jax.numpy as jnp
from jax import lax
from jax.experimental import pallas as pl
from jax.experimental.pallas import tpu as pltpu
from jax.experimental.pallas import tpu_sc as plsc

B, N, M, NS, C = 8, 4096, 1024, 32, 128
RADIUS = 0.12
R2 = RADIUS * RADIUS

NC, NSUB, L = 2, 16, 16
NW = NC * NSUB
MW = M // NW
KC = 8
OUTC = 3 + C


def _body(pxyz_hbm, q_hbm, feat_hbm, out_hbm,
          pxyz_v, q_v, idx_v, frows_v, obuf_v, oxyz_v, sem):
    wid = lax.axis_index("s") * NC + lax.axis_index("c")
    lanes = lax.iota(jnp.int32, L)
    zeros16 = jnp.zeros((L,), jnp.int32)

    def per_batch(b, _):
        pltpu.sync_copy(pxyz_hbm.at[b], pxyz_v)
        pltpu.sync_copy(q_hbm.at[b, wid], q_v)

        def per_query(j, _):
            jNS = j * NS
            qx = plsc.load_gather(q_v, [jnp.full((L,), 3 * j, jnp.int32)])
            qy = plsc.load_gather(q_v, [jnp.full((L,), 3 * j + 1, jnp.int32)])
            qz = plsc.load_gather(q_v, [jnp.full((L,), 3 * j + 2, jnp.int32)])
            idx_v[pl.ds(jNS, L)] = zeros16
            idx_v[pl.ds(jNS + L, L)] = zeros16

            def scan_chunk(k, cnt):
                base = k * L
                px = pxyz_v[pl.ds(base, L)]
                py = pxyz_v[pl.ds(N + base, L)]
                pz = pxyz_v[pl.ds(2 * N + base, L)]
                dx = qx - px
                dy = qy - py
                dz = qz - pz
                d2 = dx * dx + dy * dy + dz * dz
                mask = d2 < R2
                rank = cnt + plsc.cumsum(mask.astype(jnp.int32)) - 1
                wmask = mask & (rank < NS)
                plsc.store_scatter(idx_v, [jNS + rank], lanes + base,
                                   mask=wmask)
                return cnt + plsc.all_reduce_population_count(mask)

            cnt = lax.fori_loop(0, N // L, scan_chunk, zeros16)

            first = plsc.load_gather(idx_v, [jnp.full((L,), jNS, jnp.int32)])
            for h in range(NS // L):
                cur = idx_v[pl.ds(jNS + h * L, L)]
                keep = (lanes + h * L) < cnt
                sel = jnp.where(keep, cur, first)
                idx_v[pl.ds(jNS + h * L, L)] = sel
                for d in range(3):
                    g = plsc.load_gather(pxyz_v, [sel + d * N])
                    qd = (qx, qy, qz)[d]
                    oxyz_v[d, pl.ds(jNS + h * L, L)] = g - qd
            return 0

        lax.fori_loop(0, MW, per_query, 0)
        pltpu.sync_copy(oxyz_v,
                        out_hbm.at[b, pl.ds(0, 3), pl.ds(wid * MW * NS, MW * NS)])

        def per_chunk(cc, _):
            pltpu.sync_copy(feat_hbm.at[b, pl.ds(cc * KC, KC), :], frows_v)
            for c in range(KC):
                cvec = jnp.full((L,), c, jnp.int32)
                def gath(t, _):
                    iv = idx_v[pl.ds(t * L, L)]
                    g = plsc.load_gather(frows_v, [cvec, iv])
                    obuf_v[c, pl.ds(t * L, L)] = g
                    return 0
                lax.fori_loop(0, MW * NS // L, gath, 0)
            pltpu.sync_copy(
                obuf_v,
                out_hbm.at[b, pl.ds(3 + cc * KC, KC),
                           pl.ds(wid * MW * NS, MW * NS)])
            return 0

        lax.fori_loop(0, C // KC, per_chunk, 0)
        return 0

    lax.fori_loop(0, B, per_batch, 0)


@functools.partial(
    pl.kernel,
    out_type=jax.ShapeDtypeStruct((B, OUTC, M * NS), jnp.float32),
    mesh=plsc.VectorSubcoreMesh(core_axis_name="c", subcore_axis_name="s"),
    scratch_types=[
        pltpu.VMEM((3 * N,), jnp.float32),
        pltpu.VMEM((MW * 3,), jnp.float32),
        pltpu.VMEM((MW * NS,), jnp.int32),
        pltpu.VMEM((KC, N), jnp.float32),
        pltpu.VMEM((KC, MW * NS), jnp.float32),
        pltpu.VMEM((3, MW * NS), jnp.float32),
        pltpu.SemaphoreType.DMA,
    ],
    compiler_params=pltpu.CompilerParams(use_tc_tiling_on_sc=False,
                                         needs_layout_passes=False),
)
def _qg_kernel(pxyz_hbm, q_hbm, feat_hbm, out_hbm, *scratch):
    _body(pxyz_hbm, q_hbm, feat_hbm, out_hbm, *scratch)


def kernel(xyz, new_xyz, features):
    pxyz = jnp.transpose(xyz, (0, 2, 1)).reshape(B, 3 * N)
    q = new_xyz.reshape(B, NW, MW * 3)
    out = _qg_kernel(pxyz, q, features)
    return out.reshape(B, OUTC, M, NS)

# --- scband reference (transcript-rebuilt; emitter-appended) ---
"""Pipeline reference for scband-query-and-group-5334349381892 (READ-ONLY COPY).

The authoritative reference and input builder live on the scoring server;
editing this copy changes nothing except your own understanding.
"""

import jax, jax.numpy as jnp
import numpy as np

B, N, M, NS, C = 8, 4096, 1024, 32, 128
RADIUS = 0.12


def setup_inputs(seed: int = 0) -> dict:
    key = jax.random.key(seed)
    k1, k2, k3 = jax.random.split(key, 3)
    xyz = jax.random.uniform(k1, (B, N, 3), dtype=jnp.float32)
    new_xyz = jax.random.uniform(k2, (B, M, 3), dtype=jnp.float32)
    features = jax.random.normal(k3, (B, C, N), dtype=jnp.float32)
    return {"xyz": xyz, "new_xyz": new_xyz, "features": features}


def _ball_query(new_xyz, xyz):
    # new_xyz: [B, M, 3], xyz: [B, N, 3] -> idx: [B, M, NS] int32
    dist2 = jnp.sum((new_xyz[:, :, None, :] - xyz[:, None, :, :]) ** 2, axis=-1)  # [B, M, N]
    mask = dist2 < (RADIUS * RADIUS)
    arange_n = jnp.arange(N, dtype=jnp.int32)[None, None, :]
    cand = jnp.where(mask, arange_n, N)  # invalid -> sentinel N
    idx = jnp.sort(cand, axis=-1)[..., :NS]  # first NS in-ball indices in point order
    first = idx[..., :1]
    first = jnp.where(first == N, 0, first)  # no point in ball -> 0 (matches zero-init CUDA buffer)
    idx = jnp.where(idx == N, first, idx)    # pad with first found index (matches pnt2_ops.ball_query)
    return idx


def _group(feat, idx):
    # feat: [C', N], idx: [M, NS] -> [C', M, NS]
    return feat[:, idx]


def reference(xyz, new_xyz, features):
    idx = _ball_query(new_xyz, xyz)  # [B, M, NS]
    xyz_t = jnp.transpose(xyz, (0, 2, 1))  # [B, 3, N]
    grouped_xyz = jax.vmap(_group)(xyz_t, idx)  # [B, 3, M, NS]
    grouped_xyz = grouped_xyz - jnp.transpose(new_xyz, (0, 2, 1))[..., None]
    grouped_features = jax.vmap(_group)(features, idx)  # [B, C, M, NS]
    new_features = jnp.concatenate([grouped_xyz, grouped_features], axis=1)  # [B, 3+C, M, NS]
    return new_features

if __name__ == "__main__":
    import jax
    _d = setup_inputs()
    print(jax.jit(kernel)(*tuple(_d.values())))

</pallas_src>

<mosaic_0001>
#map = affine_map<(d0, d1) -> (0, 0)>
#map1 = affine_map<(d0, d1) -> (0, 0, 0)>
module attributes {stable_mosaic.version = 14 : i64} {
  func.func @_qg_kernel(%arg0: i32, %arg1: i32, %arg2: memref<8x12288xf32, #tpu.memory_space<hbm>>, %arg3: memref<8x32x96xf32, #tpu.memory_space<hbm>>, %arg4: memref<8x128x4096xf32, #tpu.memory_space<hbm>>, %arg5: memref<8x131x32768xf32, #tpu.memory_space<hbm>>, %arg6: memref<12288xf32, #tpu.memory_space<vmem>>, %arg7: memref<96xf32, #tpu.memory_space<vmem>>, %arg8: memref<1024xi32, #tpu.memory_space<vmem>>, %arg9: memref<8x4096xf32, #tpu.memory_space<vmem>>, %arg10: memref<8x1024xf32, #tpu.memory_space<vmem>>, %arg11: memref<3x1024xf32, #tpu.memory_space<vmem>>, %arg12: memref<!tpu.dma_semaphore, #tpu.memory_space<semaphore_mem>>) attributes {dimension_semantics = [#tpu.dimension_semantics<core_parallel>, #tpu.dimension_semantics<subcore_parallel>], iteration_bounds = array<i64: 2, 16>, scalar_prefetch = 0 : i64, scratch_operands = 7 : i64, tpu.core_type = #tpu.core_type<sc_vector_subcore>, window_params = [{transform_indices = #map}, {transform_indices = #map1}, {transform_indices = #map1}, {transform_indices = #map1}]} {
    %mul3A = arith.constant 2 : i32
    %mul3A_0 = arith.muli %arg1, %mul3A : i32
    %add3A = arith.addi %mul3A_0, %arg0 : i32
    %iota3A = tpu.iota {dimensions = array<i32: 0>} : vector<16xi32>
    %broadcast_in_dim3A = arith.constant 0 : i32
    %broadcast_in_dim3A_1 = vector.broadcast %broadcast_in_dim3A : i32 to vector<16xi32>
    %scan3A = arith.constant 0 : i32
    %scan3A_2 = arith.constant 0 : i32
    %scan3A_3 = arith.constant 8 : i32
    %scan3A_4 = arith.addi %scan3A_2, %scan3A_3 : i32
    %scan3A_5 = arith.constant 1 : i32
    %scan3A_6 = scf.for %scan3A_8 = %scan3A_2 to %scan3A_4 step %scan3A_5 iter_args(%scan3A_9 = %scan3A) -> (i32)  : i32 {
      "tpu.region"() ({
        %run_scoped3A = tpu.sem_alloc : memref<!tpu.dma_semaphore, #tpu.memory_space<semaphore_mem>>
        %dma_start3A = arith.constant 0 : i32
        %dma_start3A_29 = tpu.memref_slice %arg2[%scan3A_8, %dma_start3A] : memref<8x12288xf32, #tpu.memory_space<hbm>> -> memref<1x12288xf32, #tpu.memory_space<hbm>>
        %dma_start3A_30 = tpu.memref_squeeze %dma_start3A_29 : memref<1x12288xf32, #tpu.memory_space<hbm>> -> memref<12288xf32, #tpu.memory_space<hbm>>
        %dma_start3A_31 = arith.constant 0 : i32
        %dma_start3A_32 = tpu.memref_slice %arg2[%scan3A_8, %dma_start3A_31] : memref<8x12288xf32, #tpu.memory_space<hbm>> -> memref<1x12288xf32, #tpu.memory_space<hbm>>
        %dma_start3A_33 = tpu.memref_squeeze %dma_start3A_32 : memref<1x12288xf32, #tpu.memory_space<hbm>> -> memref<12288xf32, #tpu.memory_space<hbm>>
        tpu.enqueue_dma source(%dma_start3A_33 : memref<12288xf32, #tpu.memory_space<hbm>>) target(%arg6 : memref<12288xf32, #tpu.memory_space<vmem>>) target_semaphore(%run_scoped3A : memref<!tpu.dma_semaphore, #tpu.memory_space<semaphore_mem>>)
        %dma_wait3A = arith.constant 0 : i32
        %dma_wait3A_34 = tpu.memref_slice %arg2[%scan3A_8, %dma_wait3A] : memref<8x12288xf32, #tpu.memory_space<hbm>> -> memref<1x12288xf32, #tpu.memory_space<hbm>>
        %dma_wait3A_35 = tpu.memref_squeeze %dma_wait3A_34 : memref<1x12288xf32, #tpu.memory_space<hbm>> -> memref<12288xf32, #tpu.memory_space<hbm>>
        %dma_wait3A_36 = arith.constant 0 : i32
        %dma_wait3A_37 = tpu.memref_slice %arg2[%scan3A_8, %dma_wait3A_36] : memref<8x12288xf32, #tpu.memory_space<hbm>> -> memref<1x12288xf32, #tpu.memory_space<hbm>>
        %dma_wait3A_38 = tpu.memref_squeeze %dma_wait3A_37 : memref<1x12288xf32, #tpu.memory_space<hbm>> -> memref<12288xf32, #tpu.memory_space<hbm>>
        tpu.wait_dma2 semaphore(%run_scoped3A : memref<!tpu.dma_semaphore, #tpu.memory_space<semaphore_mem>>) src(%dma_wait3A_38 : memref<12288xf32, #tpu.memory_space<hbm>>) dst(%arg6 : memref<12288xf32, #tpu.memory_space<vmem>>)
        tpu.yield
      }) : () -> ()
      "tpu.region"() ({
        %run_scoped3A = tpu.sem_alloc : memref<!tpu.dma_semaphore, #tpu.memory_space<semaphore_mem>>
        %dma_start3A = arith.constant 0 : i32
        %dma_start3A_29 = tpu.memref_slice %arg3[%scan3A_8, %add3A, %dma_start3A] : memref<8x32x96xf32, #tpu.memory_space<hbm>> -> memref<1x1x96xf32, #tpu.memory_space<hbm>>
        %dma_start3A_30 = tpu.memref_squeeze %dma_start3A_29 : memref<1x1x96xf32, #tpu.memory_space<hbm>> -> memref<96xf32, #tpu.memory_space<hbm>>
        %dma_start3A_31 = arith.constant 0 : i32
        %dma_start3A_32 = tpu.memref_slice %arg3[%scan3A_8, %add3A, %dma_start3A_31] : memref<8x32x96xf32, #tpu.memory_space<hbm>> -> memref<1x1x96xf32, #tpu.memory_space<hbm>>
        %dma_start3A_33 = tpu.memref_squeeze %dma_start3A_32 : memref<1x1x96xf32, #tpu.memory_space<hbm>> -> memref<96xf32, #tpu.memory_space<hbm>>
        tpu.enqueue_dma source(%dma_start3A_33 : memref<96xf32, #tpu.memory_space<hbm>>) target(%arg7 : memref<96xf32, #tpu.memory_space<vmem>>) target_semaphore(%run_scoped3A : memref<!tpu.dma_semaphore, #tpu.memory_space<semaphore_mem>>)
        %dma_wait3A = arith.constant 0 : i32
        %dma_wait3A_34 = tpu.memref_slice %arg3[%scan3A_8, %add3A, %dma_wait3A] : memref<8x32x96xf32, #tpu.memory_space<hbm>> -> memref<1x1x96xf32, #tpu.memory_space<hbm>>
        %dma_wait3A_35 = tpu.memref_squeeze %dma_wait3A_34 : memref<1x1x96xf32, #tpu.memory_space<hbm>> -> memref<96xf32, #tpu.memory_space<hbm>>
        %dma_wait3A_36 = arith.constant 0 : i32
        %dma_wait3A_37 = tpu.memref_slice %arg3[%scan3A_8, %add3A, %dma_wait3A_36] : memref<8x32x96xf32, #tpu.memory_space<hbm>> -> memref<1x1x96xf32, #tpu.memory_space<hbm>>
        %dma_wait3A_38 = tpu.memref_squeeze %dma_wait3A_37 : memref<1x1x96xf32, #tpu.memory_space<hbm>> -> memref<96xf32, #tpu.memory_space<hbm>>
        tpu.wait_dma2 semaphore(%run_scoped3A : memref<!tpu.dma_semaphore, #tpu.memory_space<semaphore_mem>>) src(%dma_wait3A_38 : memref<96xf32, #tpu.memory_space<hbm>>) dst(%arg7 : memref<96xf32, #tpu.memory_space<vmem>>)
        tpu.yield
      }) : () -> ()
      %scan3A_10 = arith.constant 0 : i32
      %scan3A_11 = arith.constant 0 : i32
      %scan3A_12 = arith.constant 32 : i32
      %scan3A_13 = arith.addi %scan3A_11, %scan3A_12 : i32
      %scan3A_14 = arith.constant 1 : i32
      %scan3A_15 = scf.for %scan3A_29 = %scan3A_11 to %scan3A_13 step %scan3A_14 iter_args(%scan3A_30 = %scan3A_10) -> (i32)  : i32 {
        %mul3A_31 = arith.constant 32 : i32
        %mul3A_32 = arith.muli %scan3A_29, %mul3A_31 : i32
        %mul3A_33 = arith.constant 3 : i32
        %mul3A_34 = arith.muli %mul3A_33, %scan3A_29 : i32
        %broadcast_in_dim3A_35 = vector.broadcast %mul3A_34 : i32 to vector<16xi32>
        %gather3A = tpu.vector_load_idx %arg7[%broadcast_in_dim3A_35] : memref<96xf32, #tpu.memory_space<vmem>>[vector<16xi32>], vector<16xf32>,
        %mul3A_36 = arith.constant 3 : i32
        %mul3A_37 = arith.muli %mul3A_36, %scan3A_29 : i32
        %add3A_38 = arith.constant 1 : i32
        %add3A_39 = arith.addi %mul3A_37, %add3A_38 : i32
        %broadcast_in_dim3A_40 = vector.broadcast %add3A_39 : i32 to vector<16xi32>
        %gather3A_41 = tpu.vector_load_idx %arg7[%broadcast_in_dim3A_40] : memref<96xf32, #tpu.memory_space<vmem>>[vector<16xi32>], vector<16xf32>,
        %mul3A_42 = arith.constant 3 : i32
        %mul3A_43 = arith.muli %mul3A_42, %scan3A_29 : i32
        %add3A_44 = arith.constant 2 : i32
        %add3A_45 = arith.addi %mul3A_43, %add3A_44 : i32
        %broadcast_in_dim3A_46 = vector.broadcast %add3A_45 : i32 to vector<16xi32>
        %gather3A_47 = tpu.vector_load_idx %arg7[%broadcast_in_dim3A_46] : memref<96xf32, #tpu.memory_space<vmem>>[vector<16xi32>], vector<16xf32>,
        %swap3A = arith.index_cast %mul3A_32 : i32 to index
        %swap3A_48 = tpu.vector_load %arg8[%swap3A] {strides = array<i32>} : memref<1024xi32, #tpu.memory_space<vmem>>, vector<16xi32>,
        tpu.vector_store %arg8[%swap3A], %broadcast_in_dim3A_1 {strides = array<i32>} : memref<1024xi32, #tpu.memory_space<vmem>>, vector<16xi32>,
        %add3A_49 = arith.constant 16 : i32
        %add3A_50 = arith.addi %mul3A_32, %add3A_49 : i32
        %swap3A_51 = arith.index_cast %add3A_50 : i32 to index
        %swap3A_52 = tpu.vector_load %arg8[%swap3A_51] {strides = array<i32>} : memref<1024xi32, #tpu.memory_space<vmem>>, vector<16xi32>,
        tpu.vector_store %arg8[%swap3A_51], %broadcast_in_dim3A_1 {strides = array<i32>} : memref<1024xi32, #tpu.memory_space<vmem>>, vector<16xi32>,
        %scan3A_53 = arith.constant 0 : i32
        %scan3A_54 = arith.constant 256 : i32
        %scan3A_55 = arith.addi %scan3A_53, %scan3A_54 : i32
        %scan3A_56 = arith.constant 1 : i32
        %scan3A_57 = scf.for %scan3A_150 = %scan3A_53 to %scan3A_55 step %scan3A_56 iter_args(%scan3A_151 = %broadcast_in_dim3A_1) -> (vector<16xi32>)  : i32 {
          %mul3A_152 = arith.constant 16 : i32
          %mul3A_153 = arith.muli %scan3A_150, %mul3A_152 : i32
          %get3A_154 = arith.index_cast %mul3A_153 : i32 to index
          %get3A_155 = tpu.vector_load %arg6[%get3A_154] {strides = array<i32>} : memref<12288xf32, #tpu.memory_space<vmem>>, vector<16xf32>,
          %add3A_156 = arith.constant 4096 : i32
          %add3A_157 = arith.addi %add3A_156, %mul3A_153 : i32
          %get3A_158 = arith.index_cast %add3A_157 : i32 to index
          %get3A_159 = tpu.vector_load %arg6[%get3A_158] {strides = array<i32>} : memref<12288xf32, #tpu.memory_space<vmem>>, vector<16xf32>,
          %add3A_160 = arith.constant 8192 : i32
          %add3A_161 = arith.addi %add3A_160, %mul3A_153 : i32
          %get3A_162 = arith.index_cast %add3A_161 : i32 to index
          %get3A_163 = tpu.vector_load %arg6[%get3A_162] {strides = array<i32>} : memref<12288xf32, #tpu.memory_space<vmem>>, vector<16xf32>,
          %sub3A_164 = arith.subf %gather3A, %get3A_155 : vector<16xf32>
          %sub3A_165 = arith.subf %gather3A_41, %get3A_159 : vector<16xf32>
          %sub3A_166 = arith.subf %gather3A_47, %get3A_163 : vector<16xf32>
          %mul3A_167 = arith.mulf %sub3A_164, %sub3A_164 : vector<16xf32>
          %mul3A_168 = arith.mulf %sub3A_165, %sub3A_165 : vector<16xf32>
          %add3A_169 = arith.addf %mul3A_167, %mul3A_168 : vector<16xf32>
          %mul3A_170 = arith.mulf %sub3A_166, %sub3A_166 : vector<16xf32>
          %add3A_171 = arith.addf %add3A_169, %mul3A_170 : vector<16xf32>
          %lt3A_172 = arith.constant 1.440000e-02 : f32
          %lt3A_173 = vector.broadcast %lt3A_172 : f32 to vector<16xf32>
          %lt3A_174 = arith.cmpf olt, %add3A_171, %lt3A_173 : vector<16xf32>
          %convert_element_type3A = arith.extui %lt3A_174 : vector<16xi1> to vector<16xi32>
          %broadcast_in_dim3A_175 = arith.constant true
          %broadcast_in_dim3A_176 = vector.broadcast %broadcast_in_dim3A_175 : i1 to vector<16xi1>
          %masked_cumsum3A = tpu.scan <sum>, %convert_element_type3A masked %broadcast_in_dim3A_176 : vector<16xi32>, vector<16xi1> -> vector<16xi32>
          %add3A_177 = arith.addi %scan3A_151, %masked_cumsum3A : vector<16xi32>
          %sub3A_178 = arith.constant 1 : i32
          %sub3A_179 = vector.broadcast %sub3A_178 : i32 to vector<16xi32>
          %sub3A_180 = arith.subi %add3A_177, %sub3A_179 : vector<16xi32>
          %lt3A_181 = arith.constant 32 : i32
          %lt3A_182 = vector.broadcast %lt3A_181 : i32 to vector<16xi32>
          %lt3A_183 = arith.cmpi slt, %sub3A_180, %lt3A_182 : vector<16xi32>
          %and3A = arith.andi %lt3A_174, %lt3A_183 : vector<16xi1>
          %add3A_184 = vector.broadcast %mul3A_32 : i32 to vector<16xi32>
          %add3A_185 = arith.addi %add3A_184, %sub3A_180 : vector<16xi32>
          %add3A_186 = vector.broadcast %mul3A_153 : i32 to vector<16xi32>
          %add3A_187 = arith.addi %iota3A, %add3A_186 : vector<16xi32>
          tpu.vector_store_idx %arg8[%add3A_185], %add3A_187 masked %and3A : memref<1024xi32, #tpu.memory_space<vmem>>[vector<16xi32>], vector<16xi32>, vector<16xi1>
          %all_reduce_population_count3A = tpu.all_reduce %lt3A_174 {dim = 0 : i64, kind = #tpu.reduction_kind<sum>} : vector<16xi1> -> vector<16xi32>
          %add3A_188 = arith.addi %scan3A_151, %all_reduce_population_count3A : vector<16xi32>
          scf.yield %add3A_188 : vector<16xi32>
        }
        %scan3A_58 = arith.constant 256 : i32
        %broadcast_in_dim3A_59 = vector.broadcast %mul3A_32 : i32 to vector<16xi32>
        %gather3A_60 = tpu.vector_load_idx %arg8[%broadcast_in_dim3A_59] : memref<1024xi32, #tpu.memory_space<vmem>>[vector<16xi32>], vector<16xi32>,
        %add3A_61 = arith.constant 0 : i32
        %add3A_62 = arith.addi %mul3A_32, %add3A_61 : i32
        %get3A = arith.index_cast %add3A_62 : i32 to index
        %get3A_63 = tpu.vector_load %arg8[%get3A] {strides = array<i32>} : memref<1024xi32, #tpu.memory_space<vmem>>, vector<16xi32>,
        %add3A_64 = arith.constant 0 : i32
        %add3A_65 = vector.broadcast %add3A_64 : i32 to vector<16xi32>
        %add3A_66 = arith.addi %iota3A, %add3A_65 : vector<16xi32>
        %lt3A = arith.cmpi slt, %add3A_66, %scan3A_57 : vector<16xi32>
        %select_n3A = arith.select %lt3A, %get3A_63, %gather3A_60 : vector<16xi1>, vector<16xi32>
        %add3A_67 = arith.constant 0 : i32
        %add3A_68 = arith.addi %mul3A_32, %add3A_67 : i32
        %swap3A_69 = arith.index_cast %add3A_68 : i32 to index
        %swap3A_70 = tpu.vector_load %arg8[%swap3A_69] {strides = array<i32>} : memref<1024xi32, #tpu.memory_space<vmem>>, vector<16xi32>,
        tpu.vector_store %arg8[%swap3A_69], %select_n3A {strides = array<i32>} : memref<1024xi32, #tpu.memory_space<vmem>>, vector<16xi32>,
        %add3A_71 = arith.constant 0 : i32
        %add3A_72 = vector.broadcast %add3A_71 : i32 to vector<16xi32>
        %add3A_73 = arith.addi %select_n3A, %add3A_72 : vector<16xi32>
        %gather3A_74 = tpu.vector_load_idx %arg6[%add3A_73] : memref<12288xf32, #tpu.memory_space<vmem>>[vector<16xi32>], vector<16xf32>,
        %sub3A = arith.subf %gather3A_74, %gather3A : vector<16xf32>
        %add3A_75 = arith.constant 0 : i32
        %add3A_76 = arith.addi %mul3A_32, %add3A_75 : i32
        %swap3A_77 = arith.constant 0 : i32
        %swap3A_78 = arith.index_cast %swap3A_77 : i32 to index
        %swap3A_79 = arith.index_cast %add3A_76 : i32 to index
        %swap3A_80 = tpu.vector_load %arg11[%swap3A_78, %swap3A_79] {strides = array<i32>} : memref<3x1024xf32, #tpu.memory_space<vmem>>, vector<16xf32>,
        tpu.vector_store %arg11[%swap3A_78, %swap3A_79], %sub3A {strides = array<i32>} : memref<3x1024xf32, #tpu.memory_space<vmem>>, vector<16xf32>,
        %add3A_81 = arith.constant 4096 : i32
        %add3A_82 = vector.broadcast %add3A_81 : i32 to vector<16xi32>
        %add3A_83 = arith.addi %select_n3A, %add3A_82 : vector<16xi32>
        %gather3A_84 = tpu.vector_load_idx %arg6[%add3A_83] : memref<12288xf32, #tpu.memory_space<vmem>>[vector<16xi32>], vector<16xf32>,
        %sub3A_85 = arith.subf %gather3A_84, %gather3A_41 : vector<16xf32>
        %add3A_86 = arith.constant 0 : i32
        %add3A_87 = arith.addi %mul3A_32, %add3A_86 : i32
        %swap3A_88 = arith.constant 1 : i32
        %swap3A_89 = arith.index_cast %swap3A_88 : i32 to index
        %swap3A_90 = arith.index_cast %add3A_87 : i32 to index
        %swap3A_91 = tpu.vector_load %arg11[%swap3A_89, %swap3A_90] {strides = array<i32>} : memref<3x1024xf32, #tpu.memory_space<vmem>>, vector<16xf32>,
        tpu.vector_store %arg11[%swap3A_89, %swap3A_90], %sub3A_85 {strides = array<i32>} : memref<3x1024xf32, #tpu.memory_space<vmem>>, vector<16xf32>,
        %add3A_92 = arith.constant 8192 : i32
        %add3A_93 = vector.broadcast %add3A_92 : i32 to vector<16xi32>
        %add3A_94 = arith.addi %select_n3A, %add3A_93 : vector<16xi32>
        %gather3A_95 = tpu.vector_load_idx %arg6[%add3A_94] : memref<12288xf32, #tpu.memory_space<vmem>>[vector<16xi32>], vector<16xf32>,
        %sub3A_96 = arith.subf %gather3A_95, %gather3A_47 : vector<16xf32>
        %add3A_97 = arith.constant 0 : i32
        %add3A_98 = arith.addi %mul3A_32, %add3A_97 : i32
        %swap3A_99 = arith.constant 2 : i32
        %swap3A_100 = arith.index_cast %swap3A_99 : i32 to index
        %swap3A_101 = arith.index_cast %add3A_98 : i32 to index
        %swap3A_102 = tpu.vector_load %arg11[%swap3A_100, %swap3A_101] {strides = array<i32>} : memref<3x1024xf32, #tpu.memory_space<vmem>>, vector<16xf32>,
        tpu.vector_store %arg11[%swap3A_100, %swap3A_101], %sub3A_96 {strides = array<i32>} : memref<3x1024xf32, #tpu.memory_space<vmem>>, vector<16xf32>,
        %add3A_103 = arith.constant 16 : i32
        %add3A_104 = arith.addi %mul3A_32, %add3A_103 : i32
        %get3A_105 = arith.index_cast %add3A_104 : i32 to index
        %get3A_106 = tpu.vector_load %arg8[%get3A_105] {strides = array<i32>} : memref<1024xi32, #tpu.memory_space<vmem>>, vector<16xi32>,
        %add3A_107 = arith.constant 16 : i32
        %add3A_108 = vector.broadcast %add3A_107 : i32 to vector<16xi32>
        %add3A_109 = arith.addi %iota3A, %add3A_108 : vector<16xi32>
        %lt3A_110 = arith.cmpi slt, %add3A_109, %scan3A_57 : vector<16xi32>
        %select_n3A_111 = arith.select %lt3A_110, %get3A_106, %gather3A_60 : vector<16xi1>, vector<16xi32>
        %add3A_112 = arith.constant 16 : i32
        %add3A_113 = arith.addi %mul3A_32, %add3A_112 : i32
        %swap3A_114 = arith.index_cast %add3A_113 : i32 to index
        %swap3A_115 = tpu.vector_load %arg8[%swap3A_114] {strides = array<i32>} : memref<1024xi32, #tpu.memory_space<vmem>>, vector<16xi32>,
        tpu.vector_store %arg8[%swap3A_114], %select_n3A_111 {strides = array<i32>} : memref<1024xi32, #tpu.memory_space<vmem>>, vector<16xi32>,
        %add3A_116 = arith.constant 0 : i32
        %add3A_117 = vector.broadcast %add3A_116 : i32 to vector<16xi32>
        %add3A_118 = arith.addi %select_n3A_111, %add3A_117 : vector<16xi32>
        %gather3A_119 = tpu.vector_load_idx %arg6[%add3A_118] : memref<12288xf32, #tpu.memory_space<vmem>>[vector<16xi32>], vector<16xf32>,
        %sub3A_120 = arith.subf %gather3A_119, %gather3A : vector<16xf32>
        %add3A_121 = arith.constant 16 : i32
        %add3A_122 = arith.addi %mul3A_32, %add3A_121 : i32
        %swap3A_123 = arith.constant 0 : i32
        %swap3A_124 = arith.index_cast %swap3A_123 : i32 to index
        %swap3A_125 = arith.index_cast %add3A_122 : i32 to index
        %swap3A_126 = tpu.vector_load %arg11[%swap3A_124, %swap3A_125] {strides = array<i32>} : memref<3x1024xf32, #tpu.memory_space<vmem>>, vector<16xf32>,
        tpu.vector_store %arg11[%swap3A_124, %swap3A_125], %sub3A_120 {strides = array<i32>} : memref<3x1024xf32, #tpu.memory_space<vmem>>, vector<16xf32>,
        %add3A_127 = arith.constant 4096 : i32
        %add3A_128 = vector.broadcast %add3A_127 : i32 to vector<16xi32>
        %add3A_129 = arith.addi %select_n3A_111, %add3A_128 : vector<16xi32>
        %gather3A_130 = tpu.vector_load_idx %arg6[%add3A_129] : memref<12288xf32, #tpu.memory_space<vmem>>[vector<16xi32>], vector<16xf32>,
        %sub3A_131 = arith.subf %gather3A_130, %gather3A_41 : vector<16xf32>
        %add3A_132 = arith.constant 16 : i32
        %add3A_133 = arith.addi %mul3A_32, %add3A_132 : i32
        %swap3A_134 = arith.constant 1 : i32
        %swap3A_135 = arith.index_cast %swap3A_134 : i32 to index
        %swap3A_136 = arith.index_cast %add3A_133 : i32 to index
        %swap3A_137 = tpu.vector_load %arg11[%swap3A_135, %swap3A_136] {strides = array<i32>} : memref<3x1024xf32, #tpu.memory_space<vmem>>, vector<16xf32>,
        tpu.vector_store %arg11[%swap3A_135, %swap3A_136], %sub3A_131 {strides = array<i32>} : memref<3x1024xf32, #tpu.memory_space<vmem>>, vector<16xf32>,
        %add3A_138 = arith.constant 8192 : i32
        %add3A_139 = vector.broadcast %add3A_138 : i32 to vector<16xi32>
        %add3A_140 = arith.addi %select_n3A_111, %add3A_139 : vector<16xi32>
        %gather3A_141 = tpu.vector_load_idx %arg6[%add3A_140] : memref<12288xf32, #tpu.memory_space<vmem>>[vector<16xi32>], vector<16xf32>,
        %sub3A_142 = arith.subf %gather3A_141, %gather3A_47 : vector<16xf32>
        %add3A_143 = arith.constant 16 : i32
        %add3A_144 = arith.addi %mul3A_32, %add3A_143 : i32
        %swap3A_145 = arith.constant 2 : i32
        %swap3A_146 = arith.index_cast %swap3A_145 : i32 to index
        %swap3A_147 = arith.index_cast %add3A_144 : i32 to index
        %swap3A_148 = tpu.vector_load %arg11[%swap3A_146, %swap3A_147] {strides = array<i32>} : memref<3x1024xf32, #tpu.memory_space<vmem>>, vector<16xf32>,
        tpu.vector_store %arg11[%swap3A_146, %swap3A_147], %sub3A_142 {strides = array<i32>} : memref<3x1024xf32, #tpu.memory_space<vmem>>, vector<16xf32>,
        %scan3A_149 = arith.constant 0 : i32
        scf.yield %scan3A_149 : i32
      }
      %scan3A_16 = arith.constant 32 : i32
      %mul3A_17 = arith.constant 32 : i32
      %mul3A_18 = arith.muli %add3A, %mul3A_17 : i32
      %mul3A_19 = arith.constant 32 : i32
      %mul3A_20 = arith.muli %mul3A_18, %mul3A_19 : i32
      "tpu.region"() ({
        %run_scoped3A = tpu.sem_alloc : memref<!tpu.dma_semaphore, #tpu.memory_space<semaphore_mem>>
        %dma_start3A = arith.constant 0 : i32
        %dma_start3A_29 = tpu.memref_slice %arg5[%scan3A_8, %dma_start3A, %mul3A_20] : memref<8x131x32768xf32, #tpu.memory_space<hbm>> -> memref<1x3x1024xf32, #tpu.memory_space<hbm>>
        %dma_start3A_30 = tpu.memref_squeeze %dma_start3A_29 : memref<1x3x1024xf32, #tpu.memory_space<hbm>> -> memref<3x1024xf32, #tpu.memory_space<hbm>>
        %dma_start3A_31 = arith.constant 0 : i32
        %dma_start3A_32 = tpu.memref_slice %arg5[%scan3A_8, %dma_start3A_31, %mul3A_20] : memref<8x131x32768xf32, #tpu.memory_space<hbm>> -> memref<1x3x1024xf32, #tpu.memory_space<hbm>>
        %dma_start3A_33 = tpu.memref_squeeze %dma_start3A_32 : memref<1x3x1024xf32, #tpu.memory_space<hbm>> -> memref<3x1024xf32, #tpu.memory_space<hbm>>
        tpu.enqueue_dma source(%arg11 : memref<3x1024xf32, #tpu.memory_space<vmem>>) target(%dma_start3A_33 : memref<3x1024xf32, #tpu.memory_space<hbm>>) target_semaphore(%run_scoped3A : memref<!tpu.dma_semaphore, #tpu.memory_space<semaphore_mem>>)
        %dma_wait3A = arith.constant 0 : i32
        %dma_wait3A_34 = tpu.memref_slice %arg5[%scan3A_8, %dma_wait3A, %mul3A_20] : memref<8x131x32768xf32, #tpu.memory_space<hbm>> -> memref<1x3x1024xf32, #tpu.memory_space<hbm>>
        %dma_wait3A_35 = tpu.memref_squeeze %dma_wait3A_34 : memref<1x3x1024xf32, #tpu.memory_space<hbm>> -> memref<3x1024xf32, #tpu.memory_space<hbm>>
        %dma_wait3A_36 = arith.constant 0 : i32
        %dma_wait3A_37 = tpu.memref_slice %arg5[%scan3A_8, %dma_wait3A_36, %mul3A_20] : memref<8x131x32768xf32, #tpu.memory_space<hbm>> -> memref<1x3x1024xf32, #tpu.memory_space<hbm>>
        %dma_wait3A_38 = tpu.memref_squeeze %dma_wait3A_37 : memref<1x3x1024xf32, #tpu.memory_space<hbm>> -> memref<3x1024xf32, #tpu.memory_space<hbm>>
        tpu.wait_dma2 semaphore(%run_scoped3A : memref<!tpu.dma_semaphore, #tpu.memory_space<semaphore_mem>>) src(%arg11 : memref<3x1024xf32, #tpu.memory_space<vmem>>) dst(%dma_wait3A_38 : memref<3x1024xf32, #tpu.memory_space<hbm>>)
        tpu.yield
      }) : () -> ()
      %scan3A_21 = arith.constant 0 : i32
      %scan3A_22 = arith.constant 0 : i32
      %scan3A_23 = arith.constant 16 : i32
      %scan3A_24 = arith.addi %scan3A_22, %scan3A_23 : i32
      %scan3A_25 = arith.constant 1 : i32
      %scan3A_26 = scf.for %scan3A_29 = %scan3A_22 to %scan3A_24 step %scan3A_25 iter_args(%scan3A_30 = %scan3A_21) -> (i32)  : i32 {
        %mul3A_31 = arith.constant 8 : i32
        %mul3A_32 = arith.muli %scan3A_29, %mul3A_31 : i32
        "tpu.region"() ({
          %run_scoped3A = tpu.sem_alloc : memref<!tpu.dma_semaphore, #tpu.memory_space<semaphore_mem>>
          %dma_start3A = arith.constant 0 : i32
          %dma_start3A_114 = tpu.memref_slice %arg4[%scan3A_8, %mul3A_32, %dma_start3A] : memref<8x128x4096xf32, #tpu.memory_space<hbm>> -> memref<1x8x4096xf32, #tpu.memory_space<hbm>>
          %dma_start3A_115 = tpu.memref_squeeze %dma_start3A_114 : memref<1x8x4096xf32, #tpu.memory_space<hbm>> -> memref<8x4096xf32, #tpu.memory_space<hbm>>
          %dma_start3A_116 = arith.constant 0 : i32
          %dma_start3A_117 = tpu.memref_slice %arg4[%scan3A_8, %mul3A_32, %dma_start3A_116] : memref<8x128x4096xf32, #tpu.memory_space<hbm>> -> memref<1x8x4096xf32, #tpu.memory_space<hbm>>
          %dma_start3A_118 = tpu.memref_squeeze %dma_start3A_117 : memref<1x8x4096xf32, #tpu.memory_space<hbm>> -> memref<8x4096xf32, #tpu.memory_space<hbm>>
          tpu.enqueue_dma source(%dma_start3A_118 : memref<8x4096xf32, #tpu.memory_space<hbm>>) target(%arg9 : memref<8x4096xf32, #tpu.memory_space<vmem>>) target_semaphore(%run_scoped3A : memref<!tpu.dma_semaphore, #tpu.memory_space<semaphore_mem>>)
          %dma_wait3A = arith.constant 0 : i32
          %dma_wait3A_119 = tpu.memref_slice %arg4[%scan3A_8, %mul3A_32, %dma_wait3A] : memref<8x128x4096xf32, #tpu.memory_space<hbm>> -> memref<1x8x4096xf32, #tpu.memory_space<hbm>>
          %dma_wait3A_120 = tpu.memref_squeeze %dma_wait3A_119 : memref<1x8x4096xf32, #tpu.memory_space<hbm>> -> memref<8x4096xf32, #tpu.memory_space<hbm>>
          %dma_wait3A_121 = arith.constant 0 : i32
          %dma_wait3A_122 = tpu.memref_slice %arg4[%scan3A_8, %mul3A_32, %dma_wait3A_121] : memref<8x128x4096xf32, #tpu.memory_space<hbm>> -> memref<1x8x4096xf32, #tpu.memory_space<hbm>>
          %dma_wait3A_123 = tpu.memref_squeeze %dma_wait3A_122 : memref<1x8x4096xf32, #tpu.memory_space<hbm>> -> memref<8x4096xf32, #tpu.memory_space<hbm>>
          tpu.wait_dma2 semaphore(%run_scoped3A : memref<!tpu.dma_semaphore, #tpu.memory_space<semaphore_mem>>) src(%dma_wait3A_123 : memref<8x4096xf32, #tpu.memory_space<hbm>>) dst(%arg9 : memref<8x4096xf32, #tpu.memory_space<vmem>>)
          tpu.yield
        }) : () -> ()
        %broadcast_in_dim3A_33 = arith.constant 0 : i32
        %broadcast_in_dim3A_34 = vector.broadcast %broadcast_in_dim3A_33 : i32 to vector<16xi32>
        %scan3A_35 = arith.constant 0 : i32
        %scan3A_36 = arith.constant 0 : i32
        %scan3A_37 = arith.constant 64 : i32
        %scan3A_38 = arith.addi %scan3A_36, %scan3A_37 : i32
        %scan3A_39 = arith.constant 1 : i32
        %scan3A_40 = scf.for %scan3A_114 = %scan3A_36 to %scan3A_38 step %scan3A_39 iter_args(%scan3A_115 = %scan3A_35) -> (i32)  : i32 {
          %mul3A_116 = arith.constant 16 : i32
          %mul3A_117 = arith.muli %scan3A_114, %mul3A_116 : i32
          %get3A = arith.index_cast %mul3A_117 : i32 to index
          %get3A_118 = tpu.vector_load %arg8[%get3A] {strides = array<i32>} : memref<1024xi32, #tpu.memory_space<vmem>>, vector<16xi32>,
          %gather3A = tpu.vector_load_idx %arg9[%broadcast_in_dim3A_34, %get3A_118] : memref<8x4096xf32, #tpu.memory_space<vmem>>[vector<16xi32>, vector<16xi32>], vector<16xf32>,
          %mul3A_119 = arith.constant 16 : i32
          %mul3A_120 = arith.muli %scan3A_114, %mul3A_119 : i32
          %swap3A = arith.constant 0 : i32
          %swap3A_121 = arith.index_cast %swap3A : i32 to index
          %swap3A_122 = arith.index_cast %mul3A_120 : i32 to index
          %swap3A_123 = tpu.vector_load %arg10[%swap3A_121, %swap3A_122] {strides = array<i32>} : memref<8x1024xf32, #tpu.memory_space<vmem>>, vector<16xf32>,
          tpu.vector_store %arg10[%swap3A_121, %swap3A_122], %gather3A {strides = array<i32>} : memref<8x1024xf32, #tpu.memory_space<vmem>>, vector<16xf32>,
          %scan3A_124 = arith.constant 0 : i32
          scf.yield %scan3A_124 : i32
        }
        %scan3A_41 = arith.constant 64 : i32
        %broadcast_in_dim3A_42 = arith.constant 1 : i32
        %broadcast_in_dim3A_43 = vector.broadcast %broadcast_in_dim3A_42 : i32 to vector<16xi32>
        %scan3A_44 = arith.constant 0 : i32
        %scan3A_45 = arith.constant 0 : i32
        %scan3A_46 = arith.constant 64 : i32
        %scan3A_47 = arith.addi %scan3A_45, %scan3A_46 : i32
        %scan3A_48 = arith.constant 1 : i32
        %scan3A_49 = scf.for %scan3A_114 = %scan3A_45 to %scan3A_47 step %scan3A_48 iter_args(%scan3A_115 = %scan3A_44) -> (i32)  : i32 {
          %mul3A_116 = arith.constant 16 : i32
          %mul3A_117 = arith.muli %scan3A_114, %mul3A_116 : i32
          %get3A = arith.index_cast %mul3A_117 : i32 to index
          %get3A_118 = tpu.vector_load %arg8[%get3A] {strides = array<i32>} : memref<1024xi32, #tpu.memory_space<vmem>>, vector<16xi32>,
          %gather3A = tpu.vector_load_idx %arg9[%broadcast_in_dim3A_43, %get3A_118] : memref<8x4096xf32, #tpu.memory_space<vmem>>[vector<16xi32>, vector<16xi32>], vector<16xf32>,
          %mul3A_119 = arith.constant 16 : i32
          %mul3A_120 = arith.muli %scan3A_114, %mul3A_119 : i32
          %swap3A = arith.constant 1 : i32
          %swap3A_121 = arith.index_cast %swap3A : i32 to index
          %swap3A_122 = arith.index_cast %mul3A_120 : i32 to index
          %swap3A_123 = tpu.vector_load %arg10[%swap3A_121, %swap3A_122] {strides = array<i32>} : memref<8x1024xf32, #tpu.memory_space<vmem>>, vector<16xf32>,
          tpu.vector_store %arg10[%swap3A_121, %swap3A_122], %gather3A {strides = array<i32>} : memref<8x1024xf32, #tpu.memory_space<vmem>>, vector<16xf32>,
          %scan3A_124 = arith.constant 0 : i32
          scf.yield %scan3A_124 : i32
        }
        %scan3A_50 = arith.constant 64 : i32
        %broadcast_in_dim3A_51 = arith.constant 2 : i32
        %broadcast_in_dim3A_52 = vector.broadcast %broadcast_in_dim3A_51 : i32 to vector<16xi32>
        %scan3A_53 = arith.constant 0 : i32
        %scan3A_54 = arith.constant 0 : i32
        %scan3A_55 = arith.constant 64 : i32
        %scan3A_56 = arith.addi %scan3A_54, %scan3A_55 : i32
        %scan3A_57 = arith.constant 1 : i32
        %scan3A_58 = scf.for %scan3A_114 = %scan3A_54 to %scan3A_56 step %scan3A_57 iter_args(%scan3A_115 = %scan3A_53) -> (i32)  : i32 {
          %mul3A_116 = arith.constant 16 : i32
          %mul3A_117 = arith.muli %scan3A_114, %mul3A_116 : i32
          %get3A = arith.index_cast %mul3A_117 : i32 to index
          %get3A_118 = tpu.vector_load %arg8[%get3A] {strides = array<i32>} : memref<1024xi32, #tpu.memory_space<vmem>>, vector<16xi32>,
          %gather3A = tpu.vector_load_idx %arg9[%broadcast_in_dim3A_52, %get3A_118] : memref<8x4096xf32, #tpu.memory_space<vmem>>[vector<16xi32>, vector<16xi32>], vector<16xf32>,
          %mul3A_119 = arith.constant 16 : i32
          %mul3A_120 = arith.muli %scan3A_114, %mul3A_119 : i32
          %swap3A = arith.constant 2 : i32
          %swap3A_121 = arith.index_cast %swap3A : i32 to index
          %swap3A_122 = arith.index_cast %mul3A_120 : i32 to index
          %swap3A_123 = tpu.vector_load %arg10[%swap3A_121, %swap3A_122] {strides = array<i32>} : memref<8x1024xf32, #tpu.memory_space<vmem>>, vector<16xf32>,
          tpu.vector_store %arg10[%swap3A_121, %swap3A_122], %gather3A {strides = array<i32>} : memref<8x1024xf32, #tpu.memory_space<vmem>>, vector<16xf32>,
          %scan3A_124 = arith.constant 0 : i32
          scf.yield %scan3A_124 : i32
        }
        %scan3A_59 = arith.constant 64 : i32
        %broadcast_in_dim3A_60 = arith.constant 3 : i32
        %broadcast_in_dim3A_61 = vector.broadcast %broadcast_in_dim3A_60 : i32 to vector<16xi32>
        %scan3A_62 = arith.constant 0 : i32
        %scan3A_63 = arith.constant 0 : i32
        %scan3A_64 = arith.constant 64 : i32
        %scan3A_65 = arith.addi %scan3A_63, %scan3A_64 : i32
        %scan3A_66 = arith.constant 1 : i32
        %scan3A_67 = scf.for %scan3A_114 = %scan3A_63 to %scan3A_65 step %scan3A_66 iter_args(%scan3A_115 = %scan3A_62) -> (i32)  : i32 {
          %mul3A_116 = arith.constant 16 : i32
          %mul3A_117 = arith.muli %scan3A_114, %mul3A_116 : i32
          %get3A = arith.index_cast %mul3A_117 : i32 to index
          %get3A_118 = tpu.vector_load %arg8[%get3A] {strides = array<i32>} : memref<1024xi32, #tpu.memory_space<vmem>>, vector<16xi32>,
          %gather3A = tpu.vector_load_idx %arg9[%broadcast_in_dim3A_61, %get3A_118] : memref<8x4096xf32, #tpu.memory_space<vmem>>[vector<16xi32>, vector<16xi32>], vector<16xf32>,
          %mul3A_119 = arith.constant 16 : i32
          %mul3A_120 = arith.muli %scan3A_114, %mul3A_119 : i32
          %swap3A = arith.constant 3 : i32
          %swap3A_121 = arith.index_cast %swap3A : i32 to index
          %swap3A_122 = arith.index_cast %mul3A_120 : i32 to index
          %swap3A_123 = tpu.vector_load %arg10[%swap3A_121, %swap3A_122] {strides = array<i32>} : memref<8x1024xf32, #tpu.memory_space<vmem>>, vector<16xf32>,
          tpu.vector_store %arg10[%swap3A_121, %swap3A_122], %gather3A {strides = array<i32>} : memref<8x1024xf32, #tpu.memory_space<vmem>>, vector<16xf32>,
          %scan3A_124 = arith.constant 0 : i32
          scf.yield %scan3A_124 : i32
        }
        %scan3A_68 = arith.constant 64 : i32
        %broadcast_in_dim3A_69 = arith.constant 4 : i32
        %broadcast_in_dim3A_70 = vector.broadcast %broadcast_in_dim3A_69 : i32 to vector<16xi32>
        %scan3A_71 = arith.constant 0 : i32
        %scan3A_72 = arith.constant 0 : i32
        %scan3A_73 = arith.constant 64 : i32
        %scan3A_74 = arith.addi %scan3A_72, %scan3A_73 : i32
        %scan3A_75 = arith.constant 1 : i32
        %scan3A_76 = scf.for %scan3A_114 = %scan3A_72 to %scan3A_74 step %scan3A_75 iter_args(%scan3A_115 = %scan3A_71) -> (i32)  : i32 {
          %mul3A_116 = arith.constant 16 : i32
          %mul3A_117 = arith.muli %scan3A_114, %mul3A_116 : i32
          %get3A = arith.index_cast %mul3A_117 : i32 to index
          %get3A_118 = tpu.vector_load %arg8[%get3A] {strides = array<i32>} : memref<1024xi32, #tpu.memory_space<vmem>>, vector<16xi32>,
          %gather3A = tpu.vector_load_idx %arg9[%broadcast_in_dim3A_70, %get3A_118] : memref<8x4096xf32, #tpu.memory_space<vmem>>[vector<16xi32>, vector<16xi32>], vector<16xf32>,
          %mul3A_119 = arith.constant 16 : i32
          %mul3A_120 = arith.muli %scan3A_114, %mul3A_119 : i32
          %swap3A = arith.constant 4 : i32
          %swap3A_121 = arith.index_cast %swap3A : i32 to index
          %swap3A_122 = arith.index_cast %mul3A_120 : i32 to index
          %swap3A_123 = tpu.vector_load %arg10[%swap3A_121, %swap3A_122] {strides = array<i32>} : memref<8x1024xf32, #tpu.memory_space<vmem>>, vector<16xf32>,
          tpu.vector_store %arg10[%swap3A_121, %swap3A_122], %gather3A {strides = array<i32>} : memref<8x1024xf32, #tpu.memory_space<vmem>>, vector<16xf32>,
          %scan3A_124 = arith.constant 0 : i32
          scf.yield %scan3A_124 : i32
        }
        %scan3A_77 = arith.constant 64 : i32
        %broadcast_in_dim3A_78 = arith.constant 5 : i32
        %broadcast_in_dim3A_79 = vector.broadcast %broadcast_in_dim3A_78 : i32 to vector<16xi32>
        %scan3A_80 = arith.constant 0 : i32
        %scan3A_81 = arith.constant 0 : i32
        %scan3A_82 = arith.constant 64 : i32
        %scan3A_83 = arith.addi %scan3A_81, %scan3A_82 : i32
        %scan3A_84 = arith.constant 1 : i32
        %scan3A_85 = scf.for %scan3A_114 = %scan3A_81 to %scan3A_83 step %scan3A_84 iter_args(%scan3A_115 = %scan3A_80) -> (i32)  : i32 {
          %mul3A_116 = arith.constant 16 : i32
          %mul3A_117 = arith.muli %scan3A_114, %mul3A_116 : i32
          %get3A = arith.index_cast %mul3A_117 : i32 to index
          %get3A_118 = tpu.vector_load %arg8[%get3A] {strides = array<i32>} : memref<1024xi32, #tpu.memory_space<vmem>>, vector<16xi32>,
          %gather3A = tpu.vector_load_idx %arg9[%broadcast_in_dim3A_79, %get3A_118] : memref<8x4096xf32, #tpu.memory_space<vmem>>[vector<16xi32>, vector<16xi32>], vector<16xf32>,
          %mul3A_119 = arith.constant 16 : i32
          %mul3A_120 = arith.muli %scan3A_114, %mul3A_119 : i32
          %swap3A = arith.constant 5 : i32
          %swap3A_121 = arith.index_cast %swap3A : i32 to index
          %swap3A_122 = arith.index_cast %mul3A_120 : i32 to index
          %swap3A_123 = tpu.vector_load %arg10[%swap3A_121, %swap3A_122] {strides = array<i32>} : memref<8x1024xf32, #tpu.memory_space<vmem>>, vector<16xf32>,
          tpu.vector_store %arg10[%swap3A_121, %swap3A_122], %gather3A {strides = array<i32>} : memref<8x1024xf32, #tpu.memory_space<vmem>>, vector<16xf32>,
          %scan3A_124 = arith.constant 0 : i32
          scf.yield %scan3A_124 : i32
        }
        %scan3A_86 = arith.constant 64 : i32
        %broadcast_in_dim3A_87 = arith.constant 6 : i32
        %broadcast_in_dim3A_88 = vector.broadcast %broadcast_in_dim3A_87 : i32 to vector<16xi32>
        %scan3A_89 = arith.constant 0 : i32
        %scan3A_90 = arith.constant 0 : i32
        %scan3A_91 = arith.constant 64 : i32
        %scan3A_92 = arith.addi %scan3A_90, %scan3A_91 : i32
        %scan3A_93 = arith.constant 1 : i32
        %scan3A_94 = scf.for %scan3A_114 = %scan3A_90 to %scan3A_92 step %scan3A_93 iter_args(%scan3A_115 = %scan3A_89) -> (i32)  : i32 {
          %mul3A_116 = arith.constant 16 : i32
          %mul3A_117 = arith.muli %scan3A_114, %mul3A_116 : i32
          %get3A = arith.index_cast %mul3A_117 : i32 to index
          %get3A_118 = tpu.vector_load %arg8[%get3A] {strides = array<i32>} : memref<1024xi32, #tpu.memory_space<vmem>>, vector<16xi32>,
          %gather3A = tpu.vector_load_idx %arg9[%broadcast_in_dim3A_88, %get3A_118] : memref<8x4096xf32, #tpu.memory_space<vmem>>[vector<16xi32>, vector<16xi32>], vector<16xf32>,
          %mul3A_119 = arith.constant 16 : i32
          %mul3A_120 = arith.muli %scan3A_114, %mul3A_119 : i32
          %swap3A = arith.constant 6 : i32
          %swap3A_121 = arith.index_cast %swap3A : i32 to index
          %swap3A_122 = arith.index_cast %mul3A_120 : i32 to index
          %swap3A_123 = tpu.vector_load %arg10[%swap3A_121, %swap3A_122] {strides = array<i32>} : memref<8x1024xf32, #tpu.memory_space<vmem>>, vector<16xf32>,
          tpu.vector_store %arg10[%swap3A_121, %swap3A_122], %gather3A {strides = array<i32>} : memref<8x1024xf32, #tpu.memory_space<vmem>>, vector<16xf32>,
          %scan3A_124 = arith.constant 0 : i32
          scf.yield %scan3A_124 : i32
        }
        %scan3A_95 = arith.constant 64 : i32
        %broadcast_in_dim3A_96 = arith.constant 7 : i32
        %broadcast_in_dim3A_97 = vector.broadcast %broadcast_in_dim3A_96 : i32 to vector<16xi32>
        %scan3A_98 = arith.constant 0 : i32
        %scan3A_99 = arith.constant 0 : i32
        %scan3A_100 = arith.constant 64 : i32
        %scan3A_101 = arith.addi %scan3A_99, %scan3A_100 : i32
        %scan3A_102 = arith.constant 1 : i32
        %scan3A_103 = scf.for %scan3A_114 = %scan3A_99 to %scan3A_101 step %scan3A_102 iter_args(%scan3A_115 = %scan3A_98) -> (i32)  : i32 {
          %mul3A_116 = arith.constant 16 : i32
          %mul3A_117 = arith.muli %scan3A_114, %mul3A_116 : i32
          %get3A = arith.index_cast %mul3A_117 : i32 to index
          %get3A_118 = tpu.vector_load %arg8[%get3A] {strides = array<i32>} : memref<1024xi32, #tpu.memory_space<vmem>>, vector<16xi32>,
          %gather3A = tpu.vector_load_idx %arg9[%broadcast_in_dim3A_97, %get3A_118] : memref<8x4096xf32, #tpu.memory_space<vmem>>[vector<16xi32>, vector<16xi32>], vector<16xf32>,
          %mul3A_119 = arith.constant 16 : i32
          %mul3A_120 = arith.muli %scan3A_114, %mul3A_119 : i32
          %swap3A = arith.constant 7 : i32
          %swap3A_121 = arith.index_cast %swap3A : i32 to index
          %swap3A_122 = arith.index_cast %mul3A_120 : i32 to index
          %swap3A_123 = tpu.vector_load %arg10[%swap3A_121, %swap3A_122] {strides = array<i32>} : memref<8x1024xf32, #tpu.memory_space<vmem>>, vector<16xf32>,
          tpu.vector_store %arg10[%swap3A_121, %swap3A_122], %gather3A {strides = array<i32>} : memref<8x1024xf32, #tpu.memory_space<vmem>>, vector<16xf32>,
          %scan3A_124 = arith.constant 0 : i32
          scf.yield %scan3A_124 : i32
        }
        %scan3A_104 = arith.constant 64 : i32
        %mul3A_105 = arith.constant 8 : i32
        %mul3A_106 = arith.muli %scan3A_29, %mul3A_105 : i32
        %add3A_107 = arith.constant 3 : i32
        %add3A_108 = arith.addi %add3A_107, %mul3A_106 : i32
        %mul3A_109 = arith.constant 32 : i32
        %mul3A_110 = arith.muli %add3A, %mul3A_109 : i32
        %mul3A_111 = arith.constant 32 : i32
        %mul3A_112 = arith.muli %mul3A_110, %mul3A_111 : i32
        "tpu.region"() ({
          %run_scoped3A = tpu.sem_alloc : memref<!tpu.dma_semaphore, #tpu.memory_space<semaphore_mem>>
          %dma_start3A = tpu.memref_slice %arg5[%scan3A_8, %add3A_108, %mul3A_112] : memref<8x131x32768xf32, #tpu.memory_space<hbm>> -> memref<1x8x1024xf32, #tpu.memory_space<hbm>>
          %dma_start3A_114 = tpu.memref_squeeze %dma_start3A : memref<1x8x1024xf32, #tpu.memory_space<hbm>> -> memref<8x1024xf32, #tpu.memory_space<hbm>>
          %dma_start3A_115 = tpu.memref_slice %arg5[%scan3A_8, %add3A_108, %mul3A_112] : memref<8x131x32768xf32, #tpu.memory_space<hbm>> -> memref<1x8x1024xf32, #tpu.memory_space<hbm>>
          %dma_start3A_116 = tpu.memref_squeeze %dma_start3A_115 : memref<1x8x1024xf32, #tpu.memory_space<hbm>> -> memref<8x1024xf32, #tpu.memory_space<hbm>>
          tpu.enqueue_dma source(%arg10 : memref<8x1024xf32, #tpu.memory_space<vmem>>) target(%dma_start3A_116 : memref<8x1024xf32, #tpu.memory_space<hbm>>) target_semaphore(%run_scoped3A : memref<!tpu.dma_semaphore, #tpu.memory_space<semaphore_mem>>)
          %dma_wait3A = tpu.memref_slice %arg5[%scan3A_8, %add3A_108, %mul3A_112] : memref<8x131x32768xf32, #tpu.memory_space<hbm>> -> memref<1x8x1024xf32, #tpu.memory_space<hbm>>
          %dma_wait3A_117 = tpu.memref_squeeze %dma_wait3A : memref<1x8x1024xf32, #tpu.memory_space<hbm>> -> memref<8x1024xf32, #tpu.memory_space<hbm>>
          %dma_wait3A_118 = tpu.memref_slice %arg5[%scan3A_8, %add3A_108, %mul3A_112] : memref<8x131x32768xf32, #tpu.memory_space<hbm>> -> memref<1x8x1024xf32, #tpu.memory_space<hbm>>
          %dma_wait3A_119 = tpu.memref_squeeze %dma_wait3A_118 : memref<1x8x1024xf32, #tpu.memory_space<hbm>> -> memref<8x1024xf32, #tpu.memory_space<hbm>>
          tpu.wait_dma2 semaphore(%run_scoped3A : memref<!tpu.dma_semaphore, #tpu.memory_space<semaphore_mem>>) src(%arg10 : memref<8x1024xf32, #tpu.memory_space<vmem>>) dst(%dma_wait3A_119 : memref<8x1024xf32, #tpu.memory_space<hbm>>)
          tpu.yield
        }) : () -> ()
        %scan3A_113 = arith.constant 0 : i32
        scf.yield %scan3A_113 : i32
      }
      %scan3A_27 = arith.constant 16 : i32
      %scan3A_28 = arith.constant 0 : i32
      scf.yield %scan3A_28 : i32
    }
    %scan3A_7 = arith.constant 8 : i32
    return
  }
}

</mosaic_0001>

<sc_bundles>
// kernel: kernel.3.cloned.1.call-start
scs
__scs_entry_jumppad:
0x0: {  	(pc) =	sbr.rel $0x88, $3  }
0x1: {  	(tag) =	ssettag $0x0;
	lr =	simm.s32 $0x1  }
0x2: {  	[smem:$0x3F9E] =	sst lr;
	_ =	strace $0xD0000000  }
0x3: {  	_ = 	snop  }
0x4: {  	_ = 	snop  }
0x5: {  	_ = 	snop  }
0x6: {  	_ = 	snop  }
0x7: {  	_ = 	snop  }
__scs_overlays_trampoline_lowered:
0x8: {  	[smem:$0x3FAD] =	sst s0  }
0x9: {  	[smem:$0x3FAE] =	sst s1  }
0xa: {  	[smem:$0x3FAF] =	sst s2  }
0xb: {  	[smem:$0x3FB0] =	sst s3  }
0xc: {  	[smem:$0x3FB1] =	sst s4  }
0xd: {  	[smem:$0x3FB2] =	sst s5  }
0xe: {  	[smem:$0x3FB3] =	sst s6  }
0xf: {  	[smem:$0x3FB4] =	sst s7  }
0x10: {  	[smem:$0x3FB5] =	sst s8  }
0x11: {  	[smem:$0x3FB6] =	sst s9;
	s0 =	simm.s32 @!p0 $0x0  }
0x12: {  	s1 =	sld [smem:$0x3F9C];
	s0 =	simm.s32 @p0 $0x1  }
0x13: {  	[smem:$0x3FB7] =	sst s0;
	s0 =	simm.s32 @!p1 $0x0  }
0x14: {  	s2 =	sld [smem:$0x3F9B];
	s0 =	simm.s32 @p1 $0x1  }
0x15: {  	[smem:$0x3FB8] =	sst s0;
	s0 =	simm.s32 @!p2 $0x0  }
0x16: {  	s3 =	sld [smem:$0x3FDB];
	s0 =	simm.s32 @p2 $0x1  }
0x17: {  	s4 =	simm.s32 $0x1BF5;
	[smem:$0x3FBA] =	sst s0  }
0x18: {  	s0 =	sld [smem:$0x3F9D];
	_ =	swait.ge [sflag:s4], $0x0  }
0x19: {  	s7 =	sld [smem:$0x3F9E]  }
0x1a: {  	s8 =	sadd.s32 $0xFFFFE003, lr  }
0x1b: {  	s9 =	sadd.s32 $0xFFFFFEF7, lr;
	s5 =	simm.s32 $0xFFFFFFFF;
	p2 =	slt.u32 s8, $0xFFFFF086  }
0x1c: {  	p1 =	slt.u32 s9, $0xF7A;
	s5 =	simm.s32 @!p2 $0x0  }
0x1d: {  	s5 =	simm.s32 @p1 $0x1;
	p0 =	seq.s32 s7, s2  }
0x1e: {  	s7 =	smul.u32 @!p0 $0xF7A, s2;
	p2 =	seq.s32 @!p0 s5, $0x0  }
0x1f: {  	s9 =	smul.u32 $0xF7A, s1;
	s8 =	simm.s32 @!p0 $0x1BF5;
	p2 =	por !p2, p0  }
0x20: {  	[sflag:s8] =	ssyncset.s32 @!p0 $0xFFFFF086;
	s6 =	sadd.s32 @!p0 s3, s7;
	s7 =	simm.s32 @!p0 $0x108  }
0x21: {  	s3 =	sadd.s32 s3, s9;
	s6 =	sadd.s32 @!p0 $0x88, s6;
	s7 =	simm.s32 @p2 $0x1082  }
0x22: {  	[simem:s7], [sflag:s8] =	dma.local @!p0 [hbm:s6], $0xF7A  }
0x23: {  	s9 =	sor.u32 $0xD0000000, s2;
	s6 =	simm.s32 $0x108;
	_ =	swait.ge @!p0 [sflag:s8], $0x0  }
0x24: {  	s3 =	sadd.s32 $0x88, s3;
	s6 =	simm.s32 @!p1 $0x1082;
	[sflag:s4] =	ssyncset.s32 $0xFFFFF086  }
0x25: {  	[simem:s6], [sflag:s4] =	dma.local [hbm:s3], $0xF7A  }
0x26: {  	[smem:$0x3F9E] =	sst s1;
	(tag) =	ssettag s2;
	_ =	strace s9  }
0x27: {  	s1 =	sld [smem:$0x3FAE]  }
0x28: {  	s2 =	sld [smem:$0x3FAF]  }
0x29: {  	s4 =	sld [smem:$0x3FB1]  }
0x2a: {  	p0 =	seq.s32 s5, $0x0;
	s5 =	sld [smem:$0x3FB2]  }
0x2b: {  	s6 =	sld [smem:$0x3FB3]  }
0x2c: {  	s7 =	sld [smem:$0x3FB4]  }
0x2d: {  	s3 =	simm.s32 $0x108;
	s8 =	sld [smem:$0x3FB5]  }
0x2e: {  	s3 =	simm.s32 @!p0 $0x1082;
	s9 =	sld [smem:$0x3FB6]  }
0x2f: {  	lr =	sadd.s32 s0, s3;
	s0 =	sld [smem:$0x3FAD]  }
0x30: {  	s3 =	sld [smem:$0x3FB0]  }
0x31: {  	[smem:$0x3FB9] =	sst s10  }
0x32: {  	s10 =	sld [smem:$0x3FB7];
	_ =	sdelay $0x3  }
0x33: {  	p0 =	seq.s32 s10, $0x1;
	s10 =	sld [smem:$0x3FB9];
	_ =	sdelay $0x3  }
0x34: {  	[smem:$0x3FB9] =	sst s10  }
0x35: {  	s10 =	sld [smem:$0x3FB8];
	_ =	sdelay $0x3  }
0x36: {  	p1 =	seq.s32 s10, $0x1;
	s10 =	sld [smem:$0x3FB9];
	_ =	sdelay $0x3  }
0x37: {  	[smem:$0x3FB9] =	sst s10  }
0x38: {  	s10 =	sld [smem:$0x3FBA]  }
0x39: {  	_ = 	snop;
	(pc) =	sbr.ind lr, $3  }
0x3a: {  	_ = 	snop  }
0x3b: {  	_ = 	snop  }
0x3c: {  	p2 =	seq.s32 s10, $0x1;
	s10 =	sld [smem:$0x3FB9]  }
0x3d: {  	_ =	shalt  }
0x3e: {  	_ =	shalt  }
0x3f: {  	_ =	shalt  }
0x40: {  	_ =	shalt  }
0x41: {  	_ =	shalt  }
0x42: {  	_ =	shalt  }
0x43: {  	_ =	shalt  }
0x44: {  	_ =	shalt  }
0x45: {  	_ =	shalt  }
0x46: {  	_ =	shalt  }
0x47: {  	_ =	shalt  }
0x48: {  	_ =	shalt  }
0x49: {  	_ =	shalt  }
0x4a: {  	_ =	shalt  }
0x4b: {  	_ =	shalt  }
0x4c: {  	_ =	shalt  }
0x4d: {  	_ =	shalt  }
0x4e: {  	_ =	shalt  }
0x4f: {  	_ =	shalt  }
0x50: {  	_ =	shalt  }
0x51: {  	_ =	shalt  }
0x52: {  	_ =	shalt  }
0x53: {  	_ =	shalt  }
0x54: {  	_ =	shalt  }
0x55: {  	_ =	shalt  }
0x56: {  	_ =	shalt  }
0x57: {  	_ =	shalt  }
0x58: {  	_ =	shalt  }
0x59: {  	_ =	shalt  }
0x5a: {  	_ =	shalt  }
0x5b: {  	_ =	shalt  }
0x5c: {  	_ =	shalt  }
0x5d: {  	_ =	shalt  }
0x5e: {  	_ =	shalt  }
0x5f: {  	_ =	shalt  }
0x60: {  	_ =	shalt  }
0x61: {  	_ =	shalt  }
0x62: {  	_ =	shalt  }
0x63: {  	_ =	shalt  }
0x64: {  	_ =	shalt  }
0x65: {  	_ =	shalt  }
0x66: {  	_ =	shalt  }
0x67: {  	_ =	shalt  }
0x68: {  	_ =	shalt  }
0x69: {  	_ =	shalt  }
0x6a: {  	_ =	shalt  }
0x6b: {  	_ =	shalt  }
0x6c: {  	_ =	shalt  }
0x6d: {  	_ =	shalt  }
0x6e: {  	_ =	shalt  }
0x6f: {  	_ =	shalt  }
0x70: {  	_ =	shalt  }
0x71: {  	_ =	shalt  }
0x72: {  	_ =	shalt  }
0x73: {  	_ =	shalt  }
0x74: {  	_ =	shalt  }
0x75: {  	_ =	shalt  }
0x76: {  	_ =	shalt  }
0x77: {  	_ =	shalt  }
0x78: {  	_ =	shalt  }
0x79: {  	_ =	shalt  }
0x7a: {  	_ =	shalt  }
0x7b: {  	_ =	shalt  }
0x7c: {  	_ =	shalt  }
0x7d: {  	_ =	shalt  }
0x7e: {  	_ =	shalt  }
0x7f: {  	_ =	shalt  }
0x80: {  	_ =	shalt  }
0x81: {  	_ =	shalt  }
0x82: {  	_ =	shalt  }
0x83: {  	_ =	shalt  }
0x84: {  	_ =	shalt  }
0x85: {  	_ =	shalt  }
0x86: {  	_ =	shalt  }
0x87: {  	_ =	shalt  }
.Lfunc_end0:
.L_simem_size_0:
called_computation.1_lowered:
.L_overlay_start_0:
0x88: {  	s2 =	sld [smem:$0x3FD9]  }
0x89: {  	s3 =	sld [smem:$0x3FFE];
	_ =	sdelay $0x1  }
0x8a: {  	s1 =	srdreg.scid  }
0x8b: {  	s0 =	sand.u32 $0x1, s1  }
0x8c: {  	s17 =	sshll.u32 s0, $0xA;
	s2 =	sadd.s32 s3, s2  }
0x8d: {  	s2 =	sadd.s32 s2, s17  }
0x8e: {  	[smem:$0x3FC5] =	sst s2  }
0x8f: {  	_ = 	snop  }
0x90: {  	s2 =	sld [smem:$0x3FD0];
	(tm) =	ssettm $0x1  }
0x91: {  	s18 =	sld [smem:$0x3FFB];
	_ =	sdelay $0x3  }
0x92: {  	_ =	strace s18  }
0x93: {  	s3 =	sld [smem:$0x3FFC];
	_ =	sdelay $0x3  }
0x94: {  	_ =	strace s3  }
0x95: {  	s3 =	sld [smem:$0x3FFD];
	_ =	sdelay $0x3  }
0x96: {  	_ =	strace s3  }
0x97: {  	_ =	strace $0x8FFFFFFF  }
0x98: {  	s19 =	sld [smem:$0x3FDB];
	_ =	sdelay $0x1  }
0x99: {  	s4 =	simm.s32 $_scs_section_size  }
0x9a: {  	s5 =	simm.s32 $_size__tile_overlayer_lowered;
	s6 =	simm.s32 $_tile_overlayer_lowered  }
0x9b: {  	s22 =	simm.s32 $0x1BFF;
	s21 =	sshll.u32 s6, $0x1;
	s3 =	sadd.s32 s4, s19  }
0x9c: {  	s7 =	simm.s32 $0x0;
	s20 =	sshll.u32 s5, $0x1;
	s5 =	sadd.s32 s21, s3  }
0x9d: {  	[timem:s7], [sflag:s22] =	dma.local [hbm:s5], s20  }
0x9e: {  	_ =	swait.ge [sflag:s22], s20  }
0x9f: {  	s4 =	ssub.s32 $0x0, s20;
	[sflag:s22] =	ssyncset.done $0x0  }
0xa0: {  	[sflag:s22] =	ssyncadd.s32 s4;
	_ =	sdelay $0x1  }
0xa1: {  	s23 =	simm.s32 $0x1B8B  }
0xa2: {  	_ =	swait.ge [sflag:s23], $0x1  }
0xa3: {  	[sflag:s23] =	ssyncset.done $0x0  }
0xa4: {  	s25 =	simm.s32 $0x1B8E;
	s24 =	sld [smem:$0x3FFE];
	[sflag:s23] =	ssyncadd.s32 $0xFFFFFFFF  }
0xa5: {  	s26 =	simm.s32 $execute0_lowered;
	[smem:$0x3FD2] =	sst s25  }
0xa6: {  	s5 =	sshll.u32 s26, $0x1;
	_ =	strace $0x80000046;
	[dreg:$0x1] =	wrdreg $0xFFFFFFFF  }
0xa7: {  	s28 =	simm.s32 $_size_execute0_lowered;
	s3 =	sadd.s32 s3, s5;
	[dreg:$0x0] =	wrdreg $0x0  }
0xa8: {  	s5 =	sshll.u32 s28, $0x1;
	[dreg:$0x2] =	wrdreg s3  }
0xa9: {  	[dreg:$0x3] =	wrdreg s5  }
0xaa: {  	[dreg:$0x4] =	wrdreg $0xC0  }
0xab: {  	_ =	task [dreg:s7], $0x5FFFF  }
0xac: {  	[dreg:$0x1] =	wrdreg $0xFFFFFFFF  }
0xad: {  	[dreg:$0x0] =	wrdreg $0x60  }
0xae: {  	[dreg:$0x2] =	wrdreg s24  }
0xaf: {  	[dreg:$0x3] =	wrdreg s2  }
0xb0: {  	[dreg:$0x4] =	wrdreg $0x9  }
0xb1: {  	_ =	task.clear_ibuf [dreg:s7], $0x5FFFF;
	_ =	strace $0x90000046  }
0xb2: {  	s29 =	simm.s32 $0x9;
	_ =	strace $0x80000048  }
0xb3: {  	_ =	swait.ge [sflag:s29], $0x1  }
0xb4: {  	[sflag:s29] =	ssyncadd.s32 $0xFFFFFFFF  }
0xb5: {  	_ =	strace $0x90000048  }
0xb6: {  	_ =	sfence  }
0xb7: {  	s30 =	sld [smem:$0x0];
	_ =	sdelay $0x2  }
0xb8: {  	s31 =	sshll.u32 s1, $0xD;
	s1 =	sshrl.u32 s1, $0x2  }
0xb9: {  	s3 =	sand.u32 $0x4000, s31;
	s1 =	sadd.s32 s1, s30  }
0xba: {  	s0 =	sor.u32 s3, s0;
	s1 =	sshll.u32 s1, $0x11  }
0xbb: {  	s0 =	sor.u32 s1, s0  }
0xbc: {  	s0 =	sadd.s32 $0x8F2B, s0  }
0xbd: {  	[sflag:s0] =	ssyncadd.remote.s32 $0x1  }
0xbe: {  	_ =	sfence.sel $0xFFFF  }
0xbf: {  	[dreg:$0x0] =	wrdreg $0xFFFFFFFF;
	(pc) =	sbr.abs _section_cstart, $3  }
0xc0: {  	[dreg:$0x1] =	wrdreg $0xFFFFFFFF  }
0xc1: {  	_ =	task.clear_ibuf [dreg:s7], $0x2FFFF;
	_ =	strace $0x9FFFFFFF  }
0xc2: {  	(tm) =	ssettm $0x7FFFFFFF  }
0xc3: {  	_ =	shalt  }
tec
execute0_lowered:
.L_overlay_start_1:
0x0: {  	(tag) =	ssettag $0x1  }
0x1: {  	s6 =	rddreg [dreg:$0x0]  }
0x2: {  	s1 =	rddreg [dreg:$0x1]  }
0x3: {  	s0 =	rddreg [dreg:$0x2]  }
0x4: {  	s3 =	simm.s32 $0x0;
	s4 =	srdreg.scid;
	s2 =	stileid.u32  }
0x5: {  	s11 =	simm.s32 $0x1;
	s12 =	simm.s32 $0x3000;
	s13 =	simm.s32 $0x3060  }
0x6: {  	s14 =	simm.s32 $0x400;
	s15 =	simm.s32 $0x8000;
	s16 =	simm.s32 $0xD460  }
0x7: {  	s17 =	simm.s32 $0x3460;
	s18 =	simm.s32 $0xB460;
	s19 =	simm.s32 $0x0  }
0x8: {  	[smem:$0x7FF] =	sst s3;
	s7 =	sand.u32 $0x1, s4;
	s4 =	sadd.s32 $0xC00, s6  }
0x9: {  	s9 =	sshll.u32 s2, $0x1;
	s5 =	sadd.s32 $0x3C00, s6;
	s8 =	ssub.s32 $0x2, s7  }
0xa: {  	s6 =	sadd.s32 $0x4800, s6;
	s9 =	sor.u32 s7, s9;
	s10 =	sshrl.u32 s8, $0x1  }
0xb: {  	v0 =	vlaneseq.u32;
	_ =	strace $0x80000047;
	s7 =	sshll.u32 s9, $0xA;
	s10 =	ssub.s32 s8, s10  }
0xc: {  	v1 =	vimm.s32 $0x0;
	v2 =	vor.u32 $0x10, v0;
	s8 =	smul.u32 $0x60, s9;
	s9 =	sor.u32 $0x18000, s7;
	s10 =	smax.u32 s10, $0x1  }
.LBB2_1:
0xd: {  	s20 =	simm.s32 $0x0  }
.LBB2_2:
0xe: {  	s21 =	smul.u32 $0x600, s20;
	_ =	sdelay $0x1  }
0xf: {  	s23 =	smul.u32 $0xC00, s20;
	s22 =	sadd.s32 s4, s21;
	s21 =	simm.s32 $0x0  }
0x10: {  	[tilespmem:s21], [sflag:$0x1] =	stream.linear.gather [hbm4b:s22+s21], $0x3000, $0x38;
	[tilespmem:$0xE060] =	vst v63  }
0x11: {  	s31 =	sadd.s32 s8, s23;
	_ =	swait.ge [sflag:s11], $0x3000  }
0x12: {  	s22 =	sshrl.u32 s31, $0x3;
	[sflag:s11] =	ssyncset.done $0x0  }
0x13: {  	s22 =	sadd.s32 s5, s22;
	[sflag:s11] =	ssyncadd.s32 $0xFFFFD000  }
0x14: {  	[tilespmem:s12], [sflag:$0x1] =	stream.linear.gather [hbm4b:s22+s21], $0x60, $0x38;
	[tilespmem:$0xE060] =	vst v63  }
0x15: {  	_ =	swait.ge [sflag:s11], $0x60  }
0x16: {  	[sflag:s11] =	ssyncset.done $0x0  }
0x17: {  	s22 =	simm.s32 $0x0;
	[sflag:s11] =	ssyncadd.s32 $0xFFFFFFA0  }
.LBB2_3:
0x18: {  	s23 =	smul.u32 $0x3, s22;
	_ =	sdelay $0x1  }
0x19: {  	v3 =	vmov s23;
	s24 =	sadd.s32 $0x1, s23;
	s23 =	sadd.s32 $0x2, s23  }
0x1a: {  	v6 =	vmov s23  }
0x1b: {  	v4 =	vmov s24;
	_ =	sdelay $0x2  }
0x1c: {  	v5 =	vld.idx.msk [tilespmem:v3+s12+$0x0], $0xffff  }
0x1d: {  	s23 =	sshll.u32 s22, $0x5;
	v3 =	vld.idx.msk [tilespmem:v6+s12+$0x0], $0xffff;
	v6 =	vimm.s32 $0x0  }
0x1e: {  	v4 =	vld.idx.msk [tilespmem:v4+s12+$0x0], $0xffff;
	[tilespmem:s23+$0x3060] =	vst v6  }
0x1f: {  	s25 =	simm.s32 $0x2000;
	[tilespmem:s23+$0x3070] =	vst v6  }
0x20: {  	v7 =	vld [tilespmem:s25+$0xFFFFE000]  }
0x21: {  	v8 =	vld [tilespmem:s25+$0xFFFFF000];
	_ =	sdelay $0x1  }
0x22: {  	v9 =	vld [tilespmem:s25+$0x0];
	_ =	sdelay $0x2  }
0x23: {  	v7 =	vsub.f32 v5, v7;
	v8 =	vsub.f32 v4, v8;
	_ =	sdelay $0x1  }
0x24: {  	v9 =	vsub.f32 v3, v9;
	v7 =	vmul.f32 v7, v7;
	v8 =	vmul.f32 v8, v8;
	_ =	sdelay $0x1  }
0x25: {  	v7 =	vadd.f32 v8, v7;
	v8 =	vmul.f32 v9, v9;
	_ =	sdelay $0x1  }
0x26: {  	v7 =	vadd.f32 v8, v7;
	_ =	sdelay $0x1  }
0x27: {  	vm0 =	vlt.f32 v7, $1.439999980e-02  }
0x28: {  	v7 =	vsel vm0, $0x1, v1  }
0x29: {  	(xrf0) =	vadd.scan.msk.s32 $0xffff, v7;
	_ =	sdelay $0x5  }
0x2a: {  	v7, _, _ =	vpop (xrf0)  }
0x2b: {  	v7 =	vadd.s32 v7, v6  }
0x2c: {  	v9 =	vadd.s32 $0xFFFFFFFF, v7  }
0x2d: {  	v8 =	vmpcnt.ones.xlane vm0;
	vm1 =	vlt.s32 v9, $0x20  }
0x2e: {  	v7 =	vmov s23;
	vm0 =	vmand vm0, vm1  }
0x2f: {  	v6 =	vadd.s32 v6, v8;
	v8 =	vadd.s32 v7, v9;
	_ =	sdelay $0x2  }
0x30: {  	s26 =	simm.s32 $0x10;
	s24 =	sor.u32 $0x10, s23;
	v9 =	vor.u32 s21, v0  }
.LBB2_4:
0x31: {  	p0 =	sne.s32 s26, $0xFF0  }
0x32: {  	[tilespmem:v8+s13+$0x0] =	vst.idx.msk vm0, v9;
	s25 =	sadd.s32 $0x10, s25;
	v8 =	vmov v6;
	s28 =	smov.u32 s26;
	s26 =	sadd.s32 $0x10, s26  }
0x33: {  	v9 =	vld [tilespmem:s25+$0xFFFFE000]  }
0x34: {  	v10 =	vld [tilespmem:s25+$0xFFFFF000];
	_ =	sdelay $0x1  }
0x35: {  	v11 =	vld [tilespmem:s25+$0x0];
	_ =	sdelay $0x1  }
0x36: {  	v9 =	vsub.f32 v5, v9  }
0x37: {  	v10 =	vsub.f32 v4, v10;
	_ =	sdelay $0x1  }
0x38: {  	v9 =	vmul.f32 v9, v9;
	v11 =	vsub.f32 v3, v11;
	v10 =	vmul.f32 v10, v10;
	_ =	sdelay $0x1  }
0x39: {  	v9 =	vadd.f32 v10, v9;
	v10 =	vmul.f32 v11, v11;
	_ =	sdelay $0x1  }
0x3a: {  	v9 =	vadd.f32 v10, v9;
	_ =	sdelay $0x1  }
0x3b: {  	vm0 =	vlt.f32 v9, $1.439999980e-02  }
0x3c: {  	v9 =	vsel vm0, $0x1, v1;
	v10 =	vmpcnt.ones.xlane vm0  }
0x3d: {  	(xrf0) =	vadd.scan.msk.s32 $0xffff, v9  }
0x3e: {  	v6 =	vadd.s32 v6, v10;
	_ =	sdelay $0x4  }
0x3f: {  	v9, _, _ =	vpop (xrf0)  }
0x40: {  	v8 =	vadd.s32 v9, v8  }
0x41: {  	v8 =	vadd.s32 $0xFFFFFFFF, v8  }
0x42: {  	vm1 =	vlt.s32 v8, $0x20  }
0x43: {  	vm0 =	vmand vm0, vm1  }
.Ltmp0:
0x44: {  	v8 =	vadd.s32 v7, v8;
	(pc) =	sbr.rel @p0 .LBB2_4-.Ltmp0, $2  }
0x45: {  	_ =	sdelay $0x2  }
0x46: {  	v9 =	vor.u32 s28, v0  }
0x47: {  	v7 =	vshrl.u32 v7, $0x3  }
0x48: {  	v7 =	vshll.u32 v7, $0x3  }
0x49: {  	v7 =	vbroadcast v7, $0x0;
	_ =	sdelay $0x3  }
0x4a: {  	[tilespmem:v8+s13+$0x0] =	vst.idx.msk vm0, v9  }
0x4b: {  	v8 =	vld [tilespmem:s23+$0x3060]  }
0x4c: {  	v7 =	vld.idx.msk [tilespmem:v7+s13+$0x0], $0xffff;
	_ =	sdelay $0x3  }
0x4d: {  	vm14 =	vgt.s32 v6, v0  }
0x4e: {  	v8 =	vsel vm14, v8, v7;
	_ =	sdelay $0x3  }
0x4f: {  	[tilespmem:s23+$0x3060] =	vst v8  }
0x50: {  	v9 =	vld.idx.msk [tilespmem:v8+s3+$0x0], $0xffff;
	_ =	sdelay $0x2  }
0x51: {  	v10 =	vadd.s32 $0x1000, v8;
	_ =	sdelay $0x1  }
0x52: {  	v9 =	vsub.f32 v9, v5;
	_ =	sdelay $0x1  }
0x53: {  	[tilespmem:s23+$0xD460] =	vst v9  }
0x54: {  	v9 =	vld.idx.msk [tilespmem:v10+s3+$0x0], $0xffff;
	_ =	sdelay $0x2  }
0x55: {  	v8 =	vadd.s32 $0x2000, v8;
	_ =	sdelay $0x1  }
0x56: {  	v9 =	vsub.f32 v9, v4;
	_ =	sdelay $0x1  }
0x57: {  	[tilespmem:s23+$0xD860] =	vst v9  }
0x58: {  	v8 =	vld.idx.msk [tilespmem:v8+s3+$0x0], $0xffff;
	_ =	sdelay $0x4  }
0x59: {  	v8 =	vsub.f32 v8, v3;
	_ =	sdelay $0x1  }
0x5a: {  	[tilespmem:s23+$0xDC60] =	vst v8  }
0x5b: {  	v8 =	vld [tilespmem:s24+$0x3060];
	_ =	sdelay $0x3  }
0x5c: {  	vm15 =	vgt.s32 v6, v2  }
0x5d: {  	v6 =	vsel vm15, v8, v7;
	_ =	sdelay $0x3  }
0x5e: {  	[tilespmem:s24+$0x3060] =	vst v6  }
0x5f: {  	v7 =	vld.idx.msk [tilespmem:v6+s3+$0x0], $0xffff;
	_ =	sdelay $0x2  }
0x60: {  	v8 =	vadd.s32 $0x1000, v6;
	_ =	sdelay $0x1  }
0x61: {  	v62 =	vsub.f32 v7, v5;
	_ =	sdelay $0x1  }
0x62: {  	[tilespmem:s24+$0xD460] =	vst v62  }
0x63: {  	v5 =	vld.idx.msk [tilespmem:v8+s3+$0x0], $0xffff;
	_ =	sdelay $0x2  }
0x64: {  	v6 =	vadd.s32 $0x2000, v6;
	_ =	sdelay $0x1  }
0x65: {  	v63 =	vsub.f32 v5, v4;
	_ =	sdelay $0x1  }
0x66: {  	[tilespmem:s23+$0xD870] =	vst v63  }
0x67: {  	v4 =	vld.idx.msk [tilespmem:v6+s3+$0x0], $0xffff  }
0x68: {  	s22 =	sadd.s32 $0x1, s22  }
0x69: {  	p0 =	sne.s32 s22, $0x20  }
.Ltmp1:
0x6a: {  	_ = 	snop;
	(pc) =	sbr.rel @p0 .LBB2_3-.Ltmp1, $3  }
0x6b: {  	_ = 	snop  }
0x6c: {  	v3 =	vsub.f32 v4, v3;
	_ =	sdelay $0x1  }
0x6d: {  	[tilespmem:s23+$0xDC70] =	vst v3  }
0x6e: {  	s22 =	smul.u32 $0x418000, s20;
	_ =	sdelay $0x1  }
0x6f: {  	s21 =	sor.u32 s7, s22  }
0x70: {  	s21 =	sshrl.u32 s21, $0x3  }
0x71: {  	s21 =	sadd.s32 s1, s21  }
0x72: {  	[hbm4b:s21+s14] =	stream.strided.scatter [tilespmem:s16], [sflag:$0x1], $0xC00, s15, s14, $0x38;
	[tilespmem:$0xE060] =	vst v63  }
0x73: {  	s31 =	sshll.u32 s20, $0x10;
	_ =	swait.ge [sflag:s11], $0xC00  }
0x74: {  	s23 =	simm.s32 $0x0;
	s24 =	simm.s32 $0x0;
	[sflag:s11] =	ssyncset.done $0x0  }
0x75: {  	s22 =	sadd.s32 s22, s9;
	s21 =	sadd.s32 s6, s31;
	[sflag:s11] =	ssyncadd.s32 $0xFFFFF400  }
.LBB2_7:
0x76: {  	s25 =	sshll.u32 s24, $0xC  }
0x77: {  	s25 =	sadd.s32 s25, s21  }
0x78: {  	[tilespmem:s17], [sflag:$0x1] =	stream.linear.gather [hbm4b:s25+s23], $0x8000, $0x38;
	[tilespmem:$0xE060] =	vst v63  }
0x79: {  	_ =	swait.ge [sflag:s11], $0x8000  }
0x7a: {  	[sflag:s11] =	ssyncset.done $0x0  }
0x7b: {  	s25 =	simm.s32 $0x0;
	[sflag:s11] =	ssyncadd.s32 $0xFFFF8000  }
0x7c: {  	v3 =	vld [tilespmem:s25+$0x3060];
	_ =	sdelay $0x7  }
0x7d: {  	s26 =	simm.s32 $0x10;
	s28 =	simm.s32 $0x80;
	v3 =	vld.idx.msk [tilespmem:v3+s17+$0x0], $0xffff  }
.LBB2_8:
0x7e: {  	p0 =	sne.s32 s28, $0xFC0;
	v4 =	vld [tilespmem:s26+$0x3060];
	_ =	sdelay $0x3  }
.Ltmp2:
0x7f: {  	(pc) =	sbr.rel @p0 .LBB2_8-.Ltmp2, $2  }
0x80: {  	[tilespmem:s25+$0xB460] =	vst v3;
	s25 =	smov.u32 s26;
	_ =	sdelay $0x2  }
0x81: {  	s26 =	sshra.s32 s28, $0x2;
	s28 =	sadd.s32 $0x40, s28;
	v3 =	vld.idx.msk [tilespmem:v4+s17+$0x0], $0xffff  }
0x82: {  	v4 =	vld [tilespmem:s26+$0x3060];
	_ =	sdelay $0x6  }
0x83: {  	[tilespmem:s25+$0xB460] =	vst v3  }
0x84: {  	v3 =	vld.idx.msk [tilespmem:v4+s17+$0x0], $0xffff;
	_ =	sdelay $0x4  }
0x85: {  	s25 =	simm.s32 $0x0;
	[tilespmem:s26+$0xB460] =	vst v3  }
0x86: {  	v3 =	vld [tilespmem:s25+$0x3060];
	_ =	sdelay $0x4  }
0x87: {  	s26 =	simm.s32 $0x10;
	v3 =	vadd.s32 $0x1000, v3  }
0x88: {  	v5 =	vld [tilespmem:s26+$0x3060];
	_ =	sdelay $0x3  }
0x89: {  	v4 =	vld.idx.msk [tilespmem:v3+s17+$0x0], $0xffff  }
0x8a: {  	s28 =	simm.s32 $0x20;
	v3 =	vadd.s32 $0x1000, v5  }
0x8b: {  	s31 =	simm.s32 $0xC0;
	s30 =	simm.s32 $0x0;
	s29 =	simm.s32 $0x10  }
.LBB2_10:
0x8c: {  	p0 =	sne.s32 s31, $0xFC0;
	v5 =	vld [tilespmem:s28+$0x3060];
	_ =	sdelay $0x1  }
.Ltmp3:
0x8d: {  	[tilespmem:s30+$0xB860] =	vst v4;
	s30 =	smov.u32 s29;
	s29 =	smov.u32 s28;
	(pc) =	sbr.rel @p0 .LBB2_10-.Ltmp3, $3  }
0x8e: {  	v4 =	vld.idx.msk [tilespmem:v3+s17+$0x0], $0xffff;
	_ =	sdelay $0x1  }
0x8f: {  	v3 =	vadd.s32 $0x1000, v5  }
0x90: {  	s28 =	sshra.s32 s31, $0x2;
	s31 =	sadd.s32 $0x40, s31  }
0x91: {  	v5 =	vld [tilespmem:s28+$0x3060];
	_ =	sdelay $0x2  }
0x92: {  	[tilespmem:s30+$0xB860] =	vst v4  }
0x93: {  	v3 =	vld.idx.msk [tilespmem:v3+s17+$0x0], $0xffff  }
0x94: {  	v4 =	vadd.s32 $0x1000, v5;
	_ =	sdelay $0x3  }
0x95: {  	[tilespmem:s29+$0xB860] =	vst v3  }
0x96: {  	v3 =	vld.idx.msk [tilespmem:v4+s17+$0x0], $0xffff;
	_ =	sdelay $0x4  }
0x97: {  	[tilespmem:s28+$0xB860] =	vst v3  }
0x98: {  	v3 =	vld [tilespmem:s25+$0x3060];
	_ =	sdelay $0x4  }
0x99: {  	v3 =	vadd.s32 $0x2000, v3  }
0x9a: {  	v4 =	vld [tilespmem:s26+$0x3060];
	_ =	sdelay $0x3  }
0x9b: {  	v3 =	vld.idx.msk [tilespmem:v3+s17+$0x0], $0xffff  }
0x9c: {  	v4 =	vadd.s32 $0x2000, v4  }
0x9d: {  	s29 =	simm.s32 $0xC0;
	s28 =	simm.s32 $0x20  }
.LBB2_12:
0x9e: {  	p0 =	sne.s32 s29, $0xFC0;
	v5 =	vld [tilespmem:s28+$0x3060];
	_ =	sdelay $0x1  }
.Ltmp4:
0x9f: {  	[tilespmem:s25+$0xBC60] =	vst v3;
	s25 =	smov.u32 s26;
	(pc) =	sbr.rel @p0 .LBB2_12-.Ltmp4, $3  }
0xa0: {  	s26 =	smov.u32 s28;
	v3 =	vld.idx.msk [tilespmem:v4+s17+$0x0], $0xffff;
	_ =	sdelay $0x1  }
0xa1: {  	v4 =	vadd.s32 $0x2000, v5  }
0xa2: {  	s28 =	sshra.s32 s29, $0x2;
	s29 =	sadd.s32 $0x40, s29  }
0xa3: {  	v5 =	vld [tilespmem:s28+$0x3060];
	_ =	sdelay $0x2  }
0xa4: {  	[tilespmem:s25+$0xBC60] =	vst v3  }
0xa5: {  	v3 =	vld.idx.msk [tilespmem:v4+s17+$0x0], $0xffff  }
0xa6: {  	v4 =	vadd.s32 $0x2000, v5;
	_ =	sdelay $0x3  }
0xa7: {  	[tilespmem:s26+$0xBC60] =	vst v3  }
0xa8: {  	v3 =	vld.idx.msk [tilespmem:v4+s17+$0x0], $0xffff;
	_ =	sdelay $0x4  }
0xa9: {  	s25 =	simm.s32 $0x0;
	[tilespmem:s28+$0xBC60] =	vst v3  }
0xaa: {  	v3 =	vld [tilespmem:s25+$0x3060];
	_ =	sdelay $0x4  }
0xab: {  	s26 =	simm.s32 $0x10;
	v3 =	vadd.s32 $0x3000, v3  }
0xac: {  	v5 =	vld [tilespmem:s26+$0x3060];
	_ =	sdelay $0x3  }
0xad: {  	v4 =	vld.idx.msk [tilespmem:v3+s17+$0x0], $0xffff  }
0xae: {  	s31 =	simm.s32 $0xC0;
	v3 =	vadd.s32 $0x3000, v5  }
0xaf: {  	s30 =	simm.s32 $0x0;
	s29 =	simm.s32 $0x10;
	s28 =	simm.s32 $0x20  }
.LBB2_14:
0xb0: {  	p0 =	sne.s32 s31, $0xFC0;
	v5 =	vld [tilespmem:s28+$0x3060];
	_ =	sdelay $0x1  }
.Ltmp5:
0xb1: {  	[tilespmem:s30+$0xC060] =	vst v4;
	s30 =	smov.u32 s29;
	s29 =	smov.u32 s28;
	(pc) =	sbr.rel @p0 .LBB2_14-.Ltmp5, $3  }
0xb2: {  	v4 =	vld.idx.msk [tilespmem:v3+s17+$0x0], $0xffff;
	_ =	sdelay $0x1  }
0xb3: {  	v3 =	vadd.s32 $0x3000, v5  }
0xb4: {  	s28 =	sshra.s32 s31, $0x2;
	s31 =	sadd.s32 $0x40, s31  }
0xb5: {  	v5 =	vld [tilespmem:s28+$0x3060];
	_ =	sdelay $0x2  }
0xb6: {  	[tilespmem:s30+$0xC060] =	vst v4  }
0xb7: {  	v3 =	vld.idx.msk [tilespmem:v3+s17+$0x0], $0xffff  }
0xb8: {  	v4 =	vadd.s32 $0x3000, v5;
	_ =	sdelay $0x3  }
0xb9: {  	[tilespmem:s29+$0xC060] =	vst v3  }
0xba: {  	v3 =	vld.idx.msk [tilespmem:v4+s17+$0x0], $0xffff;
	_ =	sdelay $0x4  }
0xbb: {  	[tilespmem:s28+$0xC060] =	vst v3  }
0xbc: {  	v3 =	vld [tilespmem:s25+$0x3060];
	_ =	sdelay $0x4  }
0xbd: {  	v3 =	vadd.s32 $0x4000, v3  }
0xbe: {  	v4 =	vld [tilespmem:s26+$0x3060];
	_ =	sdelay $0x3  }
0xbf: {  	v3 =	vld.idx.msk [tilespmem:v3+s17+$0x0], $0xffff  }
0xc0: {  	v4 =	vadd.s32 $0x4000, v4  }
0xc1: {  	s29 =	simm.s32 $0xC0;
	s28 =	simm.s32 $0x20  }
.LBB2_16:
0xc2: {  	p0 =	sne.s32 s29, $0xFC0;
	v5 =	vld [tilespmem:s28+$0x3060];
	_ =	sdelay $0x1  }
.Ltmp6:
0xc3: {  	[tilespmem:s25+$0xC460] =	vst v3;
	s25 =	smov.u32 s26;
	(pc) =	sbr.rel @p0 .LBB2_16-.Ltmp6, $3  }
0xc4: {  	s26 =	smov.u32 s28;
	v3 =	vld.idx.msk [tilespmem:v4+s17+$0x0], $0xffff;
	_ =	sdelay $0x1  }
0xc5: {  	v4 =	vadd.s32 $0x4000, v5  }
0xc6: {  	s28 =	sshra.s32 s29, $0x2;
	s29 =	sadd.s32 $0x40, s29  }
0xc7: {  	v5 =	vld [tilespmem:s28+$0x3060];
	_ =	sdelay $0x2  }
0xc8: {  	[tilespmem:s25+$0xC460] =	vst v3  }
0xc9: {  	v3 =	vld.idx.msk [tilespmem:v4+s17+$0x0], $0xffff  }
0xca: {  	v4 =	vadd.s32 $0x4000, v5;
	_ =	sdelay $0x3  }
0xcb: {  	[tilespmem:s26+$0xC460] =	vst v3  }
0xcc: {  	v3 =	vld.idx.msk [tilespmem:v4+s17+$0x0], $0xffff;
	_ =	sdelay $0x4  }
0xcd: {  	s26 =	simm.s32 $0x0;
	[tilespmem:s28+$0xC460] =	vst v3  }
0xce: {  	v3 =	vld [tilespmem:s26+$0x3060];
	_ =	sdelay $0x4  }
0xcf: {  	s25 =	simm.s32 $0x10;
	v3 =	vadd.s32 $0x5000, v3  }
0xd0: {  	v5 =	vld [tilespmem:s25+$0x3060];
	_ =	sdelay $0x3  }
0xd1: {  	v4 =	vld.idx.msk [tilespmem:v3+s17+$0x0], $0xffff  }
0xd2: {  	s31 =	simm.s32 $0xC0;
	v3 =	vadd.s32 $0x5000, v5  }
0xd3: {  	s30 =	simm.s32 $0x0;
	s29 =	simm.s32 $0x10;
	s28 =	simm.s32 $0x20  }
.LBB2_18:
0xd4: {  	p0 =	sne.s32 s31, $0xFC0;
	v5 =	vld [tilespmem:s28+$0x3060];
	_ =	sdelay $0x1  }
.Ltmp7:
0xd5: {  	[tilespmem:s30+$0xC860] =	vst v4;
	s30 =	smov.u32 s29;
	s29 =	smov.u32 s28;
	(pc) =	sbr.rel @p0 .LBB2_18-.Ltmp7, $3  }
0xd6: {  	v4 =	vld.idx.msk [tilespmem:v3+s17+$0x0], $0xffff;
	_ =	sdelay $0x1  }
0xd7: {  	v3 =	vadd.s32 $0x5000, v5  }
0xd8: {  	s28 =	sshra.s32 s31, $0x2;
	s31 =	sadd.s32 $0x40, s31  }
0xd9: {  	v5 =	vld [tilespmem:s28+$0x3060];
	_ =	sdelay $0x2  }
0xda: {  	[tilespmem:s30+$0xC860] =	vst v4  }
0xdb: {  	v3 =	vld.idx.msk [tilespmem:v3+s17+$0x0], $0xffff  }
0xdc: {  	v4 =	vadd.s32 $0x5000, v5;
	_ =	sdelay $0x3  }
0xdd: {  	[tilespmem:s29+$0xC860] =	vst v3  }
0xde: {  	v3 =	vld.idx.msk [tilespmem:v4+s17+$0x0], $0xffff;
	_ =	sdelay $0x4  }
0xdf: {  	[tilespmem:s28+$0xC860] =	vst v3  }
0xe0: {  	v3 =	vld [tilespmem:s26+$0x3060];
	_ =	sdelay $0x4  }
0xe1: {  	v3 =	vadd.s32 $0x6000, v3  }
0xe2: {  	v5 =	vld [tilespmem:s25+$0x3060];
	_ =	sdelay $0x3  }
0xe3: {  	v4 =	vld.idx.msk [tilespmem:v3+s17+$0x0], $0xffff  }
0xe4: {  	v3 =	vadd.s32 $0x6000, v5  }
0xe5: {  	s29 =	simm.s32 $0xC0;
	s28 =	simm.s32 $0x20  }
.LBB2_20:
0xe6: {  	p0 =	sne.s32 s29, $0xFC0;
	v5 =	vld [tilespmem:s28+$0x3060];
	_ =	sdelay $0x1  }
.Ltmp8:
0xe7: {  	[tilespmem:s26+$0xCC60] =	vst v4;
	s26 =	smov.u32 s25;
	s25 =	smov.u32 s28;
	(pc) =	sbr.rel @p0 .LBB2_20-.Ltmp8, $3  }
0xe8: {  	v4 =	vld.idx.msk [tilespmem:v3+s17+$0x0], $0xffff;
	_ =	sdelay $0x1  }
0xe9: {  	v3 =	vadd.s32 $0x6000, v5  }
0xea: {  	s28 =	sshra.s32 s29, $0x2;
	s29 =	sadd.s32 $0x40, s29  }
0xeb: {  	v5 =	vld [tilespmem:s28+$0x3060];
	_ =	sdelay $0x2  }
0xec: {  	[tilespmem:s26+$0xCC60] =	vst v4  }
0xed: {  	v3 =	vld.idx.msk [tilespmem:v3+s17+$0x0], $0xffff  }
0xee: {  	v4 =	vadd.s32 $0x6000, v5;
	_ =	sdelay $0x3  }
0xef: {  	[tilespmem:s25+$0xCC60] =	vst v3  }
0xf0: {  	v3 =	vld.idx.msk [tilespmem:v4+s17+$0x0], $0xffff;
	_ =	sdelay $0x4  }
0xf1: {  	s26 =	simm.s32 $0x0;
	[tilespmem:s28+$0xCC60] =	vst v3  }
0xf2: {  	v3 =	vld [tilespmem:s26+$0x3060];
	_ =	sdelay $0x4  }
0xf3: {  	s25 =	simm.s32 $0x10;
	v3 =	vadd.s32 $0x7000, v3  }
0xf4: {  	v5 =	vld [tilespmem:s25+$0x3060];
	_ =	sdelay $0x3  }
0xf5: {  	v4 =	vld.idx.msk [tilespmem:v3+s17+$0x0], $0xffff  }
0xf6: {  	v3 =	vadd.s32 $0x7000, v5  }
0xf7: {  	s29 =	simm.s32 $0xC0;
	s28 =	simm.s32 $0x20  }
.LBB2_22:
0xf8: {  	p0 =	sne.s32 s29, $0xFC0;
	v5 =	vld [tilespmem:s28+$0x3060];
	_ =	sdelay $0x1  }
.Ltmp9:
0xf9: {  	[tilespmem:s26+$0xD060] =	vst v4;
	s26 =	smov.u32 s25;
	s25 =	smov.u32 s28;
	(pc) =	sbr.rel @p0 .LBB2_22-.Ltmp9, $3  }
0xfa: {  	v4 =	vld.idx.msk [tilespmem:v3+s17+$0x0], $0xffff;
	_ =	sdelay $0x1  }
0xfb: {  	v3 =	vadd.s32 $0x7000, v5  }
0xfc: {  	s28 =	sshra.s32 s29, $0x2;
	s29 =	sadd.s32 $0x40, s29  }
0xfd: {  	v5 =	vld [tilespmem:s28+$0x3060];
	_ =	sdelay $0x2  }
0xfe: {  	[tilespmem:s26+$0xD060] =	vst v4  }
0xff: {  	v3 =	vld.idx.msk [tilespmem:v3+s17+$0x0], $0xffff  }
0x100: {  	v63 =	vadd.s32 $0x7000, v5;
	_ =	sdelay $0x3  }
0x101: {  	[tilespmem:s25+$0xD060] =	vst v3  }
0x102: {  	v3 =	vld.idx.msk [tilespmem:v63+s17+$0x0], $0xffff;
	_ =	sdelay $0x1  }
0x103: {  	s31 =	sshll.u32 s24, $0x12  }
0x104: {  	s24 =	sadd.s32 $0x1, s24;
	s25 =	sadd.s32 s31, s22  }
0x105: {  	p0 =	sne.s32 s24, $0x10;
	s25 =	sshrl.u32 s25, $0x3  }
.Ltmp10:
0x106: {  	s25 =	sadd.s32 s1, s25;
	[tilespmem:s28+$0xD060] =	vst v3;
	(pc) =	sbr.rel @p0 .LBB2_7-.Ltmp10, $4  }
0x107: {  	[hbm4b:s25+s14] =	stream.strided.scatter [tilespmem:s18], [sflag:$0x1], $0x2000, s15, s14, $0x38;
	[tilespmem:$0xE060] =	vst v63  }
0x108: {  	_ =	swait.ge [sflag:s11], $0x2000  }
0x109: {  	[sflag:s11] =	ssyncset.done $0x0  }
0x10a: {  	[sflag:s11] =	ssyncadd.s32 $0xFFFFE000  }
0x10b: {  	s20 =	sadd.s32 $0x1, s20  }
0x10c: {  	p0 =	sne.s32 s20, $0x8  }
.Ltmp11:
0x10d: {  	_ = 	snop;
	(pc) =	sbr.rel @p0 .LBB2_2-.Ltmp11, $1  }
0x10e: {  	_ =	sdelay $0x3  }
0x10f: {  	s19 =	sadd.s32 $0x1, s19  }
0x110: {  	p0 =	sne.s32 s19, s10  }
.Ltmp12:
0x111: {  	_ = 	snop;
	(pc) =	sbr.rel @p0 .LBB2_1-.Ltmp12, $1  }
0x112: {  	_ =	sdelay $0x3  }
0x113: {  	_ =	sfence.sel $0x180000  }
0x114: {  	[bflag:$0x0] =	sbarrier.arrive $0xFFFF  }
0x115: {  	p0 =	sne.s32 s2, $0x0;
	_ =	strace $0x90000047  }
0x116: {  	s0 =	sadd.s32 @!p0 $0x100000, s0;
	[bflag:$0x2] =	sbarrier.arrive $0xFFFF  }
0x117: {  	[sflag:s0] =	ssyncadd.tile.s32 @!p0 $0x1;
	_ =	shalt  }
.Lfunc_end2:
_tile_overlayer_lowered:
.L_overlay_start_2:
0x118: {  	(tag) =	ssettag $0x2  }
0x119: {  	s0 =	rddreg [dreg:$0x0];
	s2 =	stileid.u32  }
0x11a: {  	s1 =	rddreg [dreg:$0x1];
	p0 =	sne.s32 s2, $0x0  }
0x11b: {  	s3 =	rddreg [dreg:$0x2];
	[bflag:$0x3] =	sbarrier.arrive $0xFFFF;
	s2 =	simm.s32 @!p0 $0x1C01  }
0x11c: {  	[timem:s3], [sflag:s2] =	dma.local @!p0 [hbm:s0], s1  }
0x11d: {  	s0 =	simm.s32 @!p0 $0x1  }
0x11e: {  	_ =	swait.ge @!p0 [sflag:s0], s1  }
0x11f: {  	s1 =	ssub.s32 @!p0 $0x0, s1;
	[sflag:s0] =	ssyncset.done @!p0 $0x0  }
0x120: {  	[sflag:s0] =	ssyncadd.s32 @!p0 s1  }
0x121: {  	[bflag:$0x3] =	sbarrier.arrive $0xFFFF  }
0x122: {  	_ =	shalt  }

// kernel: sparse-core-data-format-call.cloned.1.call-start
scs
called_computation_lowered:
.L_overlay_start_0:
0x0: {  	s2 =	sld [smem:$0x3FD9]  }
0x1: {  	s3 =	sld [smem:$0x3FFE];
	_ =	sdelay $0x1  }
0x2: {  	s1 =	srdreg.scid  }
0x3: {  	s0 =	sand.u32 $0x1, s1  }
0x4: {  	s18 =	sshll.u32 s0, $0xA;
	s2 =	sadd.s32 s3, s2  }
0x5: {  	s2 =	sadd.s32 s2, s18  }
0x6: {  	[smem:$0x3FC5] =	sst s2  }
0x7: {  	_ = 	snop  }
0x8: {  	s2 =	sld [smem:$0x3FD0];
	(tm) =	ssettm $0x1  }
0x9: {  	s19 =	sld [smem:$0x3FFB];
	_ =	sdelay $0x3  }
0xa: {  	_ =	strace s19  }
0xb: {  	s3 =	sld [smem:$0x3FFC];
	_ =	sdelay $0x3  }
0xc: {  	_ =	strace s3  }
0xd: {  	s3 =	sld [smem:$0x3FFD];
	_ =	sdelay $0x3  }
0xe: {  	_ =	strace s3  }
0xf: {  	_ =	strace $0x8FFFFFFF  }
0x10: {  	s20 =	sld [smem:$0x3FDB];
	_ =	sdelay $0x1  }
0x11: {  	s4 =	simm.s32 $_scs_section_size  }
0x12: {  	s5 =	simm.s32 $_size__tile_overlayer_lowered;
	s6 =	simm.s32 $_tile_overlayer_lowered  }
0x13: {  	s23 =	simm.s32 $0x1BFF;
	s22 =	sshll.u32 s6, $0x1;
	s3 =	sadd.s32 s4, s20  }
0x14: {  	s7 =	simm.s32 $0x0;
	s21 =	sshll.u32 s5, $0x1;
	s5 =	sadd.s32 s22, s3  }
0x15: {  	[timem:s7], [sflag:s23] =	dma.local [hbm:s5], s21  }
0x16: {  	_ =	swait.ge [sflag:s23], s21  }
0x17: {  	s4 =	ssub.s32 $0x0, s21;
	[sflag:s23] =	ssyncset.done $0x0  }
0x18: {  	[sflag:s23] =	ssyncadd.s32 s4;
	_ =	sdelay $0x1  }
0x19: {  	s24 =	simm.s32 $0x1B8B  }
0x1a: {  	_ =	swait.ge [sflag:s24], $0x1  }
0x1b: {  	[sflag:s24] =	ssyncset.done $0x0  }
0x1c: {  	s26 =	simm.s32 $0x1B8E;
	s25 =	sld [smem:$0x3FFE];
	[sflag:s24] =	ssyncadd.s32 $0xFFFFFFFF  }
0x1d: {  	s27 =	simm.s32 $execute0_lowered;
	[smem:$0x3FD2] =	sst s26  }
0x1e: {  	s5 =	sshll.u32 s27, $0x1;
	_ =	strace $0x80000049;
	[dreg:$0x1] =	wrdreg $0xFFFFFFFF  }
0x1f: {  	s28 =	simm.s32 $_size_execute0_lowered;
	s3 =	sadd.s32 s3, s5;
	[dreg:$0x0] =	wrdreg $0x0  }
0x20: {  	s5 =	sshll.u32 s28, $0x1;
	[dreg:$0x2] =	wrdreg s3  }
0x21: {  	[dreg:$0x3] =	wrdreg s5  }
0x22: {  	[dreg:$0x4] =	wrdreg $0xC0  }
0x23: {  	_ =	task [dreg:s7], $0x5FFFF  }
0x24: {  	[dreg:$0x1] =	wrdreg $0xFFFFFFFF  }
0x25: {  	[dreg:$0x0] =	wrdreg $0x60  }
0x26: {  	[dreg:$0x2] =	wrdreg s25  }
0x27: {  	[dreg:$0x3] =	wrdreg s2  }
0x28: {  	[dreg:$0x4] =	wrdreg $0x9  }
0x29: {  	_ =	task.clear_ibuf [dreg:s7], $0x5FFFF;
	_ =	strace $0x90000049  }
0x2a: {  	s29 =	simm.s32 $0x9;
	_ =	strace $0x8000004B  }
0x2b: {  	_ =	swait.ge [sflag:s29], $0x1  }
0x2c: {  	[sflag:s29] =	ssyncadd.s32 $0xFFFFFFFF  }
0x2d: {  	_ =	strace $0x9000004B  }
0x2e: {  	_ =	sfence  }
0x2f: {  	s30 =	sld [smem:$0x0];
	_ =	sdelay $0x2  }
0x30: {  	s31 =	sshll.u32 s1, $0xD;
	s1 =	sshrl.u32 s1, $0x2  }
0x31: {  	s3 =	sand.u32 $0x4000, s31;
	s1 =	sadd.s32 s1, s30  }
0x32: {  	s0 =	sor.u32 s3, s0;
	s1 =	sshll.u32 s1, $0x11  }
0x33: {  	s0 =	sor.u32 s1, s0  }
0x34: {  	s0 =	sadd.s32 $0x8F2B, s0  }
0x35: {  	[sflag:s0] =	ssyncadd.remote.s32 $0x1  }
0x36: {  	_ =	sfence.sel $0xFFFF  }
0x37: {  	[dreg:$0x0] =	wrdreg $0xFFFFFFFF;
	(pc) =	sbr.abs _section_cstart, $3  }
0x38: {  	[dreg:$0x1] =	wrdreg $0xFFFFFFFF  }
0x39: {  	_ =	task.clear_ibuf [dreg:s7], $0x2FFFF;
	_ =	strace $0x9FFFFFFF  }
0x3a: {  	(tm) =	ssettm $0x7FFFFFFF  }
0x3b: {  	_ =	shalt  }
tec
execute0_lowered:
.L_overlay_start_1:
0x0: {  	(tag) =	ssettag $0x1  }
0x1: {  	s0 =	stileid.u32;
	s4 =	rddreg [dreg:$0x0]  }
0x2: {  	s1 =	srdreg.scid;
	s3 =	rddreg [dreg:$0x1];
	s7 =	simm.s32 $0x1  }
0x3: {  	s31 =	simm.s32 $0x2;
	s19 =	simm.s32 $0x0;
	s9 =	simm.s32 $0x8000  }
0x4: {  	s21 =	simm.s32 $0x0;
	s20 =	simm.s32 $0x0;
	s22 =	simm.s32 $0x0  }
0x5: {  	s10 =	simm.s32 $0x0;
	s2 =	sshll.u32 s0, $0x4;
	s1 =	sshll.u32 s1, $0x8  }
0x6: {  	s11 =	simm.s32 $0x0;
	s12 =	simm.s32 $0x0;
	s1 =	sor.u32 s2, s1  }
0x7: {  	s13 =	simm.s32 $0x0;
	s14 =	simm.s32 $0x0;
	s2 =	sand.u32 $0x180, s1  }
0x8: {  	s15 =	simm.s32 $0x0;
	s18 =	simm.s32 $0x0;
	s5 =	ssub.s32 $0x400, s2  }
0x9: {  	s4 =	sadd.s32 $0x4C4A00, s4;
	s1 =	rddreg [dreg:$0x2];
	s6 =	sand.u32 $0x180, s5  }
.Ltmp0:
0xa: {  	_ =	strace $0x8000004A;
	p0 =	sne.s32 s6, $0x0;
	(pc) =	sbr.rel .LBB1_1-.Ltmp0, $4  }
0xb: {  	s16 =	smov.u32 s2;
	s8 =	sshrl.u32 s5, $0x9;
	s7 =	simm.s32 @!p0 $0x0  }
0xc: {  	s5 =	sand.u32 $0x7, s0;
	s6 =	simm.s32 $0x1;
	s7 =	sadd.s32 s7, s8  }
0xd: {  	s17 =	smov.u32 s5;
	[sflag:s6] =	ssyncpa.u1 $0x0;
	s7 =	sshll.u32 s7, $0x6  }
0xe: {  	p0 =	por $0x0, $0x0;
	[sflag:s31] =	ssyncpa.u1 $0x0;
	s8 =	sor.u32 $0x1, s7  }
.LBB1_4:
0xf: {  	[tilespmem:s25+$0x2040 ss:$0x81] =	vst.msk $0xffff, v4  }
0x10: {  	s28 =	sshll.u32 s11, $0xA;
	[tilespmem:s25+$0x2850 ss:$0x81] =	vst.msk $0xffff, v3  }
0x11: {  	s27 =	sshra.s32 s27, $0x2;
	s29 =	sshll.u32 s12, $0x3;
	p1 =	sgt.s32 s13, $0x7;
	[tilespmem:s25+$0x3060 ss:$0x81] =	vst.msk $0xffff, v2  }
0x12: {  	s30 =	smov.u32 s13;
	s31 =	sshra.s32 s13, $0x1F;
	[tilespmem:s25+$0x0 ss:$0x81] =	vst.msk $0xffff, v0;
	s25 =	sand.u32 $0x78, s12  }
0x13: {  	s28 =	sand.u32 $0x6000, s28;
	s29 =	sand.u32 $0x7C00, s29;
	s30 =	simm.s32 @!p1 $0x7  }
0x14: {  	s31 =	sand.u32 s31, s13;
	s26 =	sadd.s32 s27, s26;
	p1 =	sgt.s32 s12, $0x380  }
0x15: {  	s27 =	sadd.s32 s29, s28;
	s28 =	ssub.s32 s30, s31;
	s30 =	smov.u32 s12  }
0x16: {  	s31 =	sshra.s32 s12, $0x1F;
	s29 =	sadd.s32 $0xFFFFFFF9, s28;
	s30 =	simm.s32 @!p1 $0x380  }
0x17: {  	p1 =	sgt.s32 s11, $0x1F;
	p2 =	sgt.s32 s29, $0x0;
	s29 =	sand.u32 s31, s12  }
0x18: {  	s31 =	smov.u32 s11;
	s29 =	ssub.s32 s30, s29;
	s30 =	sshra.s32 s11, $0x1F  }
0x19: {  	s28 =	ssub.s32 $0x8, s28;
	s31 =	simm.s32 @!p1 $0x1F;
	s30 =	sand.u32 s30, s11  }
0x1a: {  	s28 =	simm.s32 @p2 $0x0;
	s30 =	ssub.s32 s31, s30;
	s31 =	sadd.s32 $0xFFFFFC80, s29  }
0x1b: {  	v5 =	vld [tilespmem:s24+$0xFFFFFFD0];
	s29 =	ssub.s32 $0x400, s29;
	p1 =	sgt.s32 s31, $0x7F;
	s31 =	sadd.s32 $0xFFFFFFE1, s30  }
0x1c: {  	v58 =	vld [tilespmem:s24+$0xFFFFFFE0];
	p2 =	sgt.s32 s10, $0x3;
	s29 =	simm.s32 @p1 $0x0;
	p1 =	sgt.s32 s31, $0x0  }
0x1d: {  	v59 =	vld [tilespmem:s24+$0xFFFFFFF0];
	s31 =	smov.u32 s10;
	s28 =	smul.u32 s28, s29;
	s29 =	sshra.s32 s10, $0x1F  }
0x1e: {  	v60 =	vld [tilespmem:s24+$0x0];
	s30 =	ssub.s32 $0x20, s30;
	s31 =	simm.s32 @!p2 $0x3;
	s29 =	sand.u32 s29, s10  }
0x1f: {  	v61 =	vld [tilespmem:s24+$0x10];
	[tilespmem:s26+$0x3870 ss:$0x81] =	vst.msk $0xffff, v1;
	s30 =	simm.s32 @p1 $0x0;
	s29 =	ssub.s32 s31, s29;
	s31 =	sshll.u32 s11, $0x7  }
0x20: {  	v62 =	vld [tilespmem:s24+$0x20];
	s27 =	sshrl.u32 s27, $0x3;
	[tilespmem:s26+$0x810 ss:$0x81] =	vst.msk $0xffff, v5;
	s28 =	smul.u32 s30, s28;
	s31 =	sand.u32 $0x380, s31  }
0x21: {  	v63 =	vld [tilespmem:s24+$0xFFFFFFC0];
	[tilespmem:s26+$0x1020 ss:$0x81] =	vst.msk $0xffff, v58;
	s30 =	sadd.s32 $0xFFFFFFFD, s29;
	s24 =	ssub.s32 $0x83, s29;
	s29 =	smul.u32 $0x83000, s13  }
0x22: {  	[tilespmem:s26+$0x1830 ss:$0x81] =	vst.msk $0xffff, v59;
	p1 =	sgt.s32 s30, $0x7F;
	s25 =	sor.u32 s25, s31;
	s30 =	sshll.u32 s10, $0xC  }
0x23: {  	[tilespmem:s26+$0x2040 ss:$0x81] =	vst.msk $0xffff, v60;
	s31 =	sand.u32 $0x7, s12;
	s24 =	simm.s32 @p1 $0x0;
	s29 =	sadd.s32 s3, s29  }
0x24: {  	[tilespmem:s26+$0x2850 ss:$0x81] =	vst.msk $0xffff, v61;
	s25 =	sshrl.u32 s25, $0x3;
	s24 =	smul.u32 s24, s28;
	s28 =	sadd.s32 s30, s29  }
0x25: {  	s27 =	sand.u32 $0xF80, s27;
	[tilespmem:s26+$0x3060 ss:$0x81] =	vst.msk $0xffff, v62;
	s30 =	sshll.u32 s31, $0x12;
	s25 =	sadd.s32 s25, s28  }
0x26: {  	[tilespmem:s26+$0x0 ss:$0x81] =	vst.msk $0xffff, v63;
	s31 =	sor.u32 $0x80, s30;
	s24 =	sand.u32 $0x3FFFFFFF, s24;
	s25 =	sadd.s32 s27, s25  }
0x27: {  	[hbm4b:s25+s31] =	stream.strided.scatter [tilespmem:s23], [sflag:$0x2], s24, s9, s31, $0x20;
	[tilespmem:$0x10100] =	vst v63  }
.LBB1_5:
0x28: {  	p1 =	slt.u32 s18, $0x2  }
0x29: {  	p2 =	sgt.s32 @!p1 s22, $0x7  }
0x2a: {  	s23 =	smov.u32 s22;
	s24 =	sshra.s32 @!p1 s22, $0x1F;
	p2 =	por !p2, p1  }
0x2b: {  	s22 =	sand.u32 @!p1 s24, s22;
	s23 =	simm.s32 @p2 $0x7  }
0x2c: {  	s25 =	smov.u32 s16;
	s22 =	ssub.s32 @!p1 s23, s22  }
0x2d: {  	s26 =	smov.u32 s17;
	p0 =	por !p0, !p0;
	s23 =	sadd.s32 @!p1 $0xFFFFFFF9, s22  }
0x2e: {  	p3 =	sgt.s32 @!p1 s21, $0x1F;
	s24 =	sshra.s32 @!p1 s21, $0x1F;
	p2 =	sgt.s32 @!p1 s23, $0x0  }
0x2f: {  	s23 =	smov.u32 s21;
	s21 =	sand.u32 @!p1 s24, s21;
	s24 =	sshra.s32 @!p1 s19, $0x1F  }
0x30: {  	s22 =	ssub.s32 @!p1 $0x8, s22;
	p2 =	por !p2, p1;
	s24 =	sand.u32 @!p1 s24, s19  }
0x31: {  	s22 =	simm.s32 @!p2 $0x0;
	p2 =	por !p3, p1;
	p3 =	sgt.s32 @!p1 s19, $0x3  }
0x32: {  	s23 =	simm.s32 @p2 $0x1F;
	p2 =	sgt.s32 @!p1 s20, $0x380;
	p3 =	por !p3, p1  }
0x33: {  	s21 =	ssub.s32 @!p1 s23, s21;
	s23 =	sshra.s32 @!p1 s20, $0x1F;
	p2 =	por !p2, p1  }
0x34: {  	s19 =	simm.s32 @p3 $0x3;
	s23 =	sand.u32 @!p1 s23, s20;
	s20 =	simm.s32 @p2 $0x380  }
0x35: {  	s19 =	ssub.s32 @!p1 s19, s24;
	s20 =	ssub.s32 @!p1 s20, s23;
	s23 =	sadd.s32 @!p1 $0xFFFFFFE1, s21  }
0x36: {  	s24 =	sadd.s32 @!p1 $0xFFFFFFFD, s19;
	p2 =	sgt.s32 @!p1 s23, $0x0;
	s23 =	sadd.s32 @!p1 $0xFFFFFC80, s20  }
0x37: {  	s21 =	ssub.s32 @!p1 $0x20, s21;
	s20 =	ssub.s32 @!p1 $0x400, s20;
	p3 =	sgt.s32 @!p1 s23, $0x7F  }
0x38: {  	p2 =	por !p2, p1;
	s23 =	sadd.s32 $0x80, s14;
	p3 =	por !p3, p1  }
0x39: {  	s21 =	simm.s32 @!p2 $0x0;
	p2 =	sgt.s32 s23, $0x82;
	s20 =	simm.s32 @!p3 $0x0  }
0x3a: {  	p3 =	sgt.s32 @!p1 s24, $0x7F;
	s20 =	smul.u32 @!p1 s22, s20;
	s22 =	simm.s32 $0x1  }
0x3b: {  	s19 =	ssub.s32 @!p1 $0x83, s19;
	p3 =	por !p3, p1;
	s22 =	simm.s32 @!p2 $0x0  }
0x3c: {  	s27 =	simm.s32 @!p1 $0x2;
	s19 =	simm.s32 @!p3 $0x0;
	s24 =	sadd.s32 s22, s15  }
0x3d: {  	s20 =	smul.u32 @!p1 s21, s20;
	s21 =	sadd.s32 $0x200, s16;
	p3 =	sgt.s32 s24, $0x1F  }
0x3e: {  	s23 =	simm.s32 @p2 $0x0;
	s22 =	smov.u32 s13;
	s25 =	smov.u32 @p3 s21  }
0x3f: {  	s19 =	smul.u32 @!p1 s19, s20;
	s20 =	sadd.s32 $0x8, s17;
	p2 =	sgt.s32 s25, $0x3FF  }
0x40: {  	s13 =	smov.u32 s17;
	s24 =	simm.s32 @p3 $0x0;
	s26 =	smov.u32 @p2 s20  }
0x41: {  	s21 =	smov.u32 s11;
	s25 =	smov.u32 @p2 s2;
	p2 =	sgt.s32 s26, $0x7  }
0x42: {  	s11 =	smov.u32 s15;
	s26 =	smov.u32 @p2 s5;
	p2 =	sne.s32 s18, s8  }
.Ltmp1:
0x43: {  	s15 =	smov.u32 s24;
	s19 =	sand.u32 @!p1 $0x3FFFFFFF, s19;
	(pc) =	sbr.rel @!p2 .LBB1_6-.Ltmp1, $4  }
0x44: {  	s20 =	smov.u32 s12;
	s12 =	smov.u32 s16;
	_ =	swait.ge @!p1 [sflag:s27], s19  }
0x45: {  	s28 =	ssub.s32 @!p1 $0x0, s19;
	s19 =	smov.u32 s10;
	s10 =	smov.u32 s14  }
0x46: {  	s14 =	smov.u32 s23;
	s16 =	smov.u32 s25;
	[sflag:s27] =	ssyncset.done @!p1 $0x0  }
0x47: {  	s18 =	sadd.s32 $0x1, s18;
	[sflag:s27] =	ssyncadd.s32 @!p1 s28;
	s17 =	smov.u32 s26  }
.LBB1_1:
0x48: {  	p1 =	sge.u32 s18, s7;
	s31 =	sadd.s32 $0xFFFFFFFF, s18  }
0x49: {  	s23 =	sxor.u32 @!p1 $0xFFFFFFFF, s18;
	s24 =	sand.u32 @!p1 $0x78, s14;
	s25 =	sshll.u32 @!p1 s15, $0x8  }
0x4a: {  	s26 =	sshll.u32 @!p1 s14, $0x3;
	s27 =	sshll.u32 @!p1 s15, $0x7;
	s23 =	sshll.u32 @!p1 s23, $0xE  }
0x4b: {  	s25 =	sand.u32 @!p1 $0x1800, s25;
	s26 =	sand.u32 @!p1 $0x1C00, s26;
	s23 =	sand.u32 @!p1 $0x4000, s23  }
0x4c: {  	s25 =	sadd.s32 @!p1 s25, s26;
	s26 =	sand.u32 @!p1 $0x300, s27;
	s27 =	sand.u32 @!p1 $0x80, s27  }
0x4d: {  	s25 =	sor.u32 @!p1 s26, s25;
	s24 =	sor.u32 @!p1 s24, s27;
	s26 =	sshll.u32 @!p1 s17, $0x14  }
0x4e: {  	s27 =	sshll.u32 @!p1 s16, $0xA;
	s25 =	sshrl.u32 @!p1 s25, $0x3;
	s26 =	sadd.s32 @!p1 s4, s26  }
0x4f: {  	s24 =	sshrl.u32 @!p1 s24, $0x3;
	s26 =	sadd.s32 @!p1 s27, s26;
	s27 =	sand.u32 @!p1 $0x7, s14  }
0x50: {  	s25 =	sand.u32 @!p1 $0x3E0, s25;
	s24 =	sadd.s32 @!p1 s24, s26;
	s26 =	sshll.u32 @!p1 s27, $0x12  }
0x51: {  	s24 =	sadd.s32 @!p1 s25, s24;
	s25 =	sor.u32 @!p1 $0x80, s26;
	s26 =	simm.s32 @!p1 $0x2000  }
0x52: {  	[tilespmem:s23], [sflag:$0x1] =	stream.strided.gather @!p1 [hbm4b:s24+s25], $0x4000, s26, s25, $0x38;
	[tilespmem:$0x10100] =	vst v63  }
0x53: {  	p1 =	sge.u32 s31, s7  }
.Ltmp2:
0x54: {  	_ = 	snop;
	(pc) =	sbr.rel @p1 .LBB1_5-.Ltmp2, $1  }
0x55: {  	_ =	sdelay $0x3  }
0x56: {  	s23 =	simm.s32 $0x1  }
0x57: {  	_ =	swait.ge [sflag:s6], $0x4000;
	s23 =	simm.s32 @!p0 $0x0  }
0x58: {  	[sflag:s6] =	ssyncset.done $0x0;
	s24 =	sshll.u32 s23, $0xE  }
0x59: {  	[sflag:s6] =	ssyncadd.s32 $0xFFFFC000;
	s24 =	sor.u32 $0x40, s24  }
0x5a: {  	s23 =	smul.u32 $0x10200, s23;
	v0 =	vld [tilespmem:s24+$0x30]  }
0x5b: {  	v1 =	vld [tilespmem:s24+$0xFFFFFFD0]  }
0x5c: {  	s23 =	sshrl.u32 s23, $0x2;
	v5 =	vld [tilespmem:s24+$0xFFFFFFE0]  }
0x5d: {  	v6 =	vld [tilespmem:s24+$0xFFFFFFF0];
	s26 =	sor.u32 $0x8000, s23  }
0x5e: {  	s31 =	sand.u32 $0x1, s18;
	v4 =	vld [tilespmem:s24+$0x0];
	s25 =	sadd.s32 $0x0, s26  }
0x5f: {  	v3 =	vld [tilespmem:s24+$0x10];
	s23 =	smul.u32 $0x10200, s31;
	[tilespmem:s25+$0x3870 ss:$0x81] =	vst.msk $0xffff, v0  }
0x60: {  	v2 =	vld [tilespmem:s24+$0x20];
	[tilespmem:s25+$0x810 ss:$0x81] =	vst.msk $0xffff, v1  }
0x61: {  	s23 =	sshrl.u32 s23, $0x2;
	v0 =	vld [tilespmem:s24+$0xFFFFFFC0];
	[tilespmem:s25+$0x1020 ss:$0x81] =	vst.msk $0xffff, v5;
	s24 =	sadd.s32 $0x80, s24  }
0x62: {  	s27 =	simm.s32 $0x4;
	s28 =	simm.s32 $0x8;
	s23 =	sor.u32 $0x8000, s23;
	[tilespmem:s25+$0x1830 ss:$0x81] =	vst.msk $0xffff, v6;
	v1 =	vld [tilespmem:s24+$0x30]  }
.LBB1_3:
0x63: {  	p1 =	sne.s32 s28, $0x1FC;
	v5 =	vld [tilespmem:s24+$0xFFFFFFD0];
	[tilespmem:s25+$0x2040 ss:$0x81] =	vst.msk $0xffff, v4  }
0x64: {  	v6 =	vld [tilespmem:s24+$0xFFFFFFE0];
	[tilespmem:s25+$0x2850 ss:$0x81] =	vst.msk $0xffff, v3  }
0x65: {  	s29 =	sshra.s32 s27, $0x2;
	s27 =	smov.u32 s28;
	v7 =	vld [tilespmem:s24+$0xFFFFFFF0];
	[tilespmem:s25+$0x3060 ss:$0x81] =	vst.msk $0xffff, v2  }
.Ltmp3:
0x66: {  	v4 =	vld [tilespmem:s24+$0x0];
	[tilespmem:s25+$0x0 ss:$0x81] =	vst.msk $0xffff, v0;
	s25 =	sadd.s32 s29, s26;
	(pc) =	sbr.rel @p1 .LBB1_3-.Ltmp3, $4  }
0x67: {  	v3 =	vld [tilespmem:s24+$0x10];
	[tilespmem:s25+$0x3870 ss:$0x81] =	vst.msk $0xffff, v1  }
0x68: {  	[tilespmem:s25+$0x810 ss:$0x81] =	vst.msk $0xffff, v5;
	v2 =	vld [tilespmem:s24+$0x20]  }
0x69: {  	v0 =	vld [tilespmem:s24+$0xFFFFFFC0];
	[tilespmem:s25+$0x1020 ss:$0x81] =	vst.msk $0xffff, v6;
	s24 =	sadd.s32 $0x80, s24  }
0x6a: {  	s28 =	sadd.s32 $0x4, s28;
	v1 =	vld [tilespmem:s24+$0x30];
	[tilespmem:s25+$0x1830 ss:$0x81] =	vst.msk $0xffff, v7  }
.Ltmp4:
0x6b: {  	_ = 	snop;
	(pc) =	sbr.rel .LBB1_4-.Ltmp4, $1  }
0x6c: {  	_ =	sdelay $0x3  }
.LBB1_6:
0x6d: {  	_ =	sfence.sel $0x180000  }
0x6e: {  	s2 =	simm.s32 $0x1;
	[bflag:$0x0] =	sbarrier.arrive $0xFFFF  }
0x6f: {  	s31 =	simm.s32 $0x2;
	[sflag:s2] =	ssyncpa.u1 $0x1  }
0x70: {  	[sflag:s31] =	ssyncpa.u1 $0x1  }
0x71: {  	p0 =	sne.s32 s0, $0x0;
	_ =	strace $0x9000004A  }
0x72: {  	s0 =	sadd.s32 @!p0 $0x100000, s1;
	[bflag:$0x2] =	sbarrier.arrive $0xFFFF  }
0x73: {  	[sflag:s0] =	ssyncadd.tile.s32 @!p0 $0x1;
	_ =	shalt  }
.Lfunc_end1:
_tile_overlayer_lowered:
.L_overlay_start_2:
0x74: {  	(tag) =	ssettag $0x2  }
0x75: {  	s0 =	rddreg [dreg:$0x0];
	s2 =	stileid.u32  }
0x76: {  	s1 =	rddreg [dreg:$0x1];
	p0 =	sne.s32 s2, $0x0  }
0x77: {  	s3 =	rddreg [dreg:$0x2];
	[bflag:$0x3] =	sbarrier.arrive $0xFFFF;
	s2 =	simm.s32 @!p0 $0x1C01  }
0x78: {  	[timem:s3], [sflag:s2] =	dma.local @!p0 [hbm:s0], s1  }
0x79: {  	s0 =	simm.s32 @!p0 $0x1  }
0x7a: {  	_ =	swait.ge @!p0 [sflag:s0], s1  }
0x7b: {  	s1 =	ssub.s32 @!p0 $0x0, s1;
	[sflag:s0] =	ssyncset.done @!p0 $0x0  }
0x7c: {  	[sflag:s0] =	ssyncadd.s32 @!p0 s1  }
0x7d: {  	[bflag:$0x3] =	sbarrier.arrive $0xFFFF  }
0x7e: {  	_ =	shalt  }

</sc_bundles>
